<compile_context>
chip_gen: v7x
topology: tpu7x:2x2x1
jax: 0.10.2.dev20260603
libtpu: 0.0.44.dev20260713+nightly
codegen_flags: <defaults>
</compile_context>

<pallas_src>
import functools

import jax
import jax.numpy as jnp
from jax import lax
from jax.experimental import pallas as pl
from jax.experimental.pallas import tpu as pltpu
from jax.experimental.pallas import tpu_sc as plsc

_N = 1000
_NP = 1008
_M = 100
_MP = 112
_LP = 128
_B = 8
_BIG = 1 << 28
_EPS = 1e-7
_NEG = float("-inf")
_IMIN = -(1 << 30)


def _giou_loss(x1, y1, x2, y2, xg1, yg1, xg2, yg2):
    xk1 = jnp.maximum(x1, xg1)
    yk1 = jnp.maximum(y1, yg1)
    xk2 = jnp.minimum(x2, xg2)
    yk2 = jnp.minimum(y2, yg2)
    valid = (yk2 > yk1) & (xk2 > xk1)
    inter = jnp.where(valid, (xk2 - xk1) * (yk2 - yk1), 0.0)
    union = (x2 - x1) * (y2 - y1) + (xg2 - xg1) * (yg2 - yg1) - inter
    iou = inter / (union + _EPS)
    xc1 = jnp.minimum(x1, xg1)
    yc1 = jnp.minimum(y1, yg1)
    xc2 = jnp.maximum(x2, xg2)
    yc2 = jnp.maximum(y2, yg2)
    area_c = (xc2 - xc1) * (yc2 - yc1)
    miou = iou - (area_c - union) / (area_c + _EPS)
    return 1.0 - miou


def _build_body(prr_ref, gtc_ref, iou_ref, cm_ref, ca_ref):
    prx1 = prr_ref[0, 0:1, :]
    pry1 = prr_ref[0, 1:2, :]
    prx2 = prr_ref[0, 2:3, :]
    pry2 = prr_ref[0, 3:4, :]
    gx1 = gtc_ref[0, 0:_MP, 0:1]
    gy1 = gtc_ref[0, 0:_MP, 1:2]
    gx2 = gtc_ref[0, 0:_MP, 2:3]
    gy2 = gtc_ref[0, 0:_MP, 3:4]

    area1 = (prx2 - prx1) * (pry2 - pry1)
    area2 = (gx2 - gx1) * (gy2 - gy1)
    wx = jnp.maximum(jnp.minimum(prx2, gx2) - jnp.maximum(prx1, gx1), 0.0)
    wy = jnp.maximum(jnp.minimum(pry2, gy2) - jnp.maximum(pry1, gy1), 0.0)
    inter = wx * wy
    iou = inter / (area1 + area2 - inter)

    sub = jax.lax.broadcasted_iota(jnp.int32, (_MP, _NP), 0)
    lane = jax.lax.broadcasted_iota(jnp.int32, (_MP, _NP), 1)
    iou = jnp.where((sub < _M) & (lane < _N), iou, _NEG)
    iou_ref[0] = iou

    cm = jnp.max(iou, axis=1, keepdims=True)
    ca = jnp.min(jnp.where(iou == cm, lane, _BIG), axis=1,
                 keepdims=True)

    tm = (jax.lax.broadcasted_iota(jnp.int32, (_MP, _LP), 0) ==
          jax.lax.broadcasted_iota(jnp.int32, (_MP, _LP), 1))
    lane1 = jax.lax.broadcasted_iota(jnp.int32, (1, _LP), 1)
    cm_row = jnp.sum(jnp.where(tm, cm, 0.0), axis=0, keepdims=True)
    cm_ref[0] = jnp.where(lane1 < _MP, cm_row, _NEG)
    ca_ref[0] = jnp.sum(jnp.where(tm, ca, 0), axis=0, keepdims=True)


_T1 = 288


def _sc_greedy_body(iou_hbm, cm_hbm, ca_hbm, rows_hbm, cols_hbm,
                    iou_v, cm_v, ca_v, rows_v, cols_v, rowdead_v, k_s):
    cidx = lax.axis_index("c")
    sidx = lax.axis_index("s")

    @pl.when((cidx == 0) & (sidx < _B))
    def _():
        b = sidx
        pltpu.sync_copy(iou_hbm.at[b], iou_v)
        pltpu.sync_copy(cm_hbm.at[b, 0], cm_v)
        pltpu.sync_copy(ca_hbm.at[b, 0], ca_v)

        lanes = lax.iota(jnp.int32, 16)
        zi = jnp.zeros((16,), jnp.int32)
        neg = jnp.full((16,), _NEG, jnp.float32)
        bigv = jnp.full((16,), _BIG, jnp.int32)

        def bmax(x):
            for sh in (1, 2, 4, 8):
                x = jnp.maximum(x, x[jnp.bitwise_xor(lanes, sh)])
            return x

        def bmin(x):
            for sh in (1, 2, 4, 8):
                x = jnp.minimum(x, x[jnp.bitwise_xor(lanes, sh)])
            return x

        def rmw(ref, pos, val):
            base = (pos >> 4) * 16
            ch = ref[pl.ds(base, 16)]
            ref[pl.ds(base, 16)] = jnp.where(lanes == (pos & 15), val, ch)

        def read1i(ref, pos):
            base = (pos >> 4) * 16
            ch = ref[pl.ds(base, 16)]
            return bmax(jnp.where(lanes == (pos & 15), ch, _IMIN))[0]

        def read1f(ref, pos):
            base = (pos >> 4) * 16
            ch = ref[pl.ds(base, 16)]
            return bmax(jnp.where(lanes == (pos & 15), ch, _NEG))[0]

        def init(u, c):
            rows_v[pl.ds(u * 16, 16)] = bigv
            cols_v[pl.ds(u * 16, 16)] = zi
            return c

        lax.fori_loop(0, _LP // 16, init, 0)

        def initd(u, c):
            rowdead_v[pl.ds(u * 16, 16)] = zi
            return c

        lax.fori_loop(0, _NP // 16, initd, 0)
        k_s[0] = 0

        def col_rescan(j):
            def rmaxf(r, m):
                ch = iou_v[j, pl.ds(r * 16, 16)]
                dd = rowdead_v[pl.ds(r * 16, 16)]
                return jnp.maximum(m, jnp.where(dd == 0, ch, _NEG))

            mvv = bmax(lax.fori_loop(0, _NP // 16, rmaxf, neg))

            def rargf(r, a):
                ch = iou_v[j, pl.ds(r * 16, 16)]
                dd = rowdead_v[pl.ds(r * 16, 16)]
                hit = (dd == 0) & (ch == mvv)
                return jnp.minimum(a, jnp.where(hit, lanes + r * 16, _BIG))

            rkv = bmin(lax.fori_loop(0, _NP // 16, rargf, bigv))
            return mvv[0], rkv[0]

        def commit(i, j, k):
            rmw(rows_v, k, i)
            rmw(cols_v, k, j)
            rmw(rowdead_v, i, 1)
            rmw(cm_v, j, _NEG)
            k_s[0] = k + 1

        def step(t, c):
            k = k_s[0]

            @pl.when(k < _M)
            def _():
                vacc = neg
                for u in range(_MP // 16):
                    vacc = jnp.maximum(vacc, cm_v[pl.ds(u * 16, 16)])
                vvec = bmax(vacc)
                kacc = bigv
                for u in range(_MP // 16):
                    cmu = cm_v[pl.ds(u * 16, 16)]
                    cau = ca_v[pl.ds(u * 16, 16)]
                    key = jnp.where(cmu == vvec,
                                    cau * 128 + (lanes + u * 16), _BIG)
                    kacc = jnp.minimum(kacc, key)
                km = bmin(kacc)[0]
                i = lax.shift_right_logical(km, 7)
                j = lax.bitwise_and(km, 127)
                dead = read1i(rowdead_v, i)

                @pl.when(dead == 0)
                def _():
                    commit(i, j, k)

                @pl.when(dead != 0)
                def _():
                    mv, rk = col_rescan(j)
                    rmw(cm_v, j, mv)
                    rmw(ca_v, j, rk)

            return c

        lax.fori_loop(0, _T1, step, 0)

        def brute(t, c):
            k = k_s[0]

            @pl.when(k < _M)
            def _():
                def percol(j, carry):
                    bv, bk = carry
                    mv, rk = col_rescan(j)
                    alive_col = read1f(cm_v, j) > _NEG
                    key = rk * 128 + j
                    better = alive_col & ((mv > bv) | ((mv == bv) & (key < bk)))
                    bv = jnp.where(better, mv, bv)
                    bk = jnp.where(better, key, bk)
                    return bv, bk

                _, bk = lax.fori_loop(0, _MP, percol,
                                      (jnp.float32(_NEG), jnp.int32(_BIG)))
                i = lax.shift_right_logical(bk, 7)
                j = lax.bitwise_and(bk, 127)
                commit(i, j, k)

            return c

        lax.fori_loop(0, _M, brute, 0)

        pltpu.sync_copy(rows_v, rows_hbm.at[b, 0])
        pltpu.sync_copy(cols_v, cols_hbm.at[b, 0])


def _loss_body(rows_ref, cols_ref, pr_ref, gtc_ref, out_ref):
    b = pl.program_id(0)

    rows_row = rows_ref[0]
    cols_row = cols_ref[0]
    m128 = (jax.lax.broadcasted_iota(jnp.int32, (_LP, _LP), 0) ==
            jax.lax.broadcasted_iota(jnp.int32, (_LP, _LP), 1))
    rows_col = jnp.sum(jnp.where(m128, rows_row, 0), axis=1,
                       keepdims=True)
    cols_col = jnp.sum(jnp.where(m128, cols_row, 0), axis=1,
                       keepdims=True)

    lane = jax.lax.broadcasted_iota(jnp.int32, (1, _LP), 1)
    sub = jax.lax.broadcasted_iota(jnp.int32, (_LP, 1), 0)
    riota = jax.lax.broadcasted_iota(jnp.int32, (_N, _LP), 0)

    rank = jnp.sum(jnp.where(rows_col < rows_row, 1, 0), axis=0,
                   keepdims=True)
    gsel = jnp.sum(jnp.where(sub == rank, cols_col, 0), axis=0,
                   keepdims=True)

    prx1 = pr_ref[0, :, 0:1]
    pry1 = pr_ref[0, :, 1:2]
    prx2 = pr_ref[0, :, 2:3]
    pry2 = pr_ref[0, :, 3:4]

    pick = riota == rows_row
    ppx1 = jnp.sum(jnp.where(pick, prx1, 0.0), axis=0, keepdims=True)
    ppy1 = jnp.sum(jnp.where(pick, pry1, 0.0), axis=0, keepdims=True)
    ppx2 = jnp.sum(jnp.where(pick, prx2, 0.0), axis=0, keepdims=True)
    ppy2 = jnp.sum(jnp.where(pick, pry2, 0.0), axis=0, keepdims=True)
    matched = jnp.sum(jnp.where(pick, 1.0, 0.0), axis=1, keepdims=True)

    gcx1 = gtc_ref[0, :, 0:1]
    gcy1 = gtc_ref[0, :, 1:2]
    gcx2 = gtc_ref[0, :, 2:3]
    gcy2 = gtc_ref[0, :, 3:4]
    gpick = sub == gsel
    gpx1 = jnp.sum(jnp.where(gpick, gcx1, 0.0), axis=0, keepdims=True)
    gpy1 = jnp.sum(jnp.where(gpick, gcy1, 0.0), axis=0, keepdims=True)
    gpx2 = jnp.sum(jnp.where(gpick, gcx2, 0.0), axis=0, keepdims=True)
    gpy2 = jnp.sum(jnp.where(gpick, gcy2, 0.0), axis=0, keepdims=True)

    lpos = _giou_loss(ppx1, ppy1, ppx2, ppy2, gpx1, gpy1, gpx2, gpy2)
    pos_mean = jnp.sum(jnp.where(lane < _M, lpos, 0.0)) / _M

    zero = jnp.zeros_like(prx1)
    lneg = _giou_loss(prx1, pry1, prx2, pry2, zero, zero, zero, zero)
    neg_mean = jnp.sum(lneg * (1.0 - matched)) / (_N - _M)

    @pl.when(b == 0)
    def _():
        out_ref[...] = jnp.zeros_like(out_ref)

    out_ref[...] = out_ref[...] + (pos_mean + neg_mean)

    @pl.when(b == _B - 1)
    def _():
        out_ref[...] = out_ref[...] / (_B * 2.0)


@jax.jit
def kernel(pr_boxes, gt_boxes, pr_class_logits, gt_classes):
    del pr_class_logits, gt_classes
    pr_rows = jnp.pad(jnp.transpose(pr_boxes, (0, 2, 1)),
                      ((0, 0), (0, 0), (0, _NP - _N)))
    gt_pad = jnp.pad(gt_boxes, ((0, 0), (0, _LP - _M), (0, 0)))

    iou8, cm8, ca8 = pl.pallas_call(
        _build_body,
        grid=(_B,),
        in_specs=[
            pl.BlockSpec((1, 4, _NP), lambda b: (b, 0, 0)),
            pl.BlockSpec((1, _LP, 4), lambda b: (b, 0, 0)),
        ],
        out_specs=[
            pl.BlockSpec((1, _MP, _NP), lambda b: (b, 0, 0)),
            pl.BlockSpec((1, 1, _LP), lambda b: (b, 0, 0)),
            pl.BlockSpec((1, 1, _LP), lambda b: (b, 0, 0)),
        ],
        out_shape=[
            jax.ShapeDtypeStruct((_B, _MP, _NP), jnp.float32),
            jax.ShapeDtypeStruct((_B, 1, _LP), jnp.float32),
            jax.ShapeDtypeStruct((_B, 1, _LP), jnp.int32),
        ],
    )(pr_rows, gt_pad)

    mesh = plsc.VectorSubcoreMesh(core_axis_name="c", subcore_axis_name="s")
    sc_greedy = functools.partial(
        pl.kernel,
        mesh=mesh,
        out_type=[
            jax.ShapeDtypeStruct((_B, 1, _LP), jnp.int32),
            jax.ShapeDtypeStruct((_B, 1, _LP), jnp.int32),
        ],
        scratch_types=[
            pltpu.VMEM((_MP, _NP), jnp.float32),
            pltpu.VMEM((_LP,), jnp.float32),
            pltpu.VMEM((_LP,), jnp.int32),
            pltpu.VMEM((_LP,), jnp.int32),
            pltpu.VMEM((_LP,), jnp.int32),
            pltpu.VMEM((_NP,), jnp.int32),
            pltpu.SMEM((1,), jnp.int32),
        ],
    )(_sc_greedy_body)
    rows8, cols8 = sc_greedy(iou8, cm8, ca8)

    out = pl.pallas_call(
        _loss_body,
        grid=(_B,),
        in_specs=[
            pl.BlockSpec((1, 1, _LP), lambda b: (b, 0, 0)),
            pl.BlockSpec((1, 1, _LP), lambda b: (b, 0, 0)),
            pl.BlockSpec((1, _N, 4), lambda b: (b, 0, 0)),
            pl.BlockSpec((1, _LP, 4), lambda b: (b, 0, 0)),
        ],
        out_specs=pl.BlockSpec((1, 1), lambda b: (0, 0)),
        out_shape=jax.ShapeDtypeStruct((1, 1), jnp.float32),
    )(rows8, cols8, pr_boxes, gt_pad)
    return out[0, 0]

# --- scband reference (transcript-rebuilt; emitter-appended) ---
"""Pipeline reference for scband-detr-loss-32238024523847 (READ-ONLY COPY).

The authoritative reference and input builder live on the scoring server;
editing this copy changes nothing except your own understanding.
"""

import jax, jax.numpy as jnp
import numpy as np


def _make_boxes(key, shape):
    r = jax.random.uniform(key, shape + (4,), dtype=jnp.float32)
    x1 = r[..., 0] * 0.8
    y1 = r[..., 1] * 0.8
    x2 = x1 + 0.05 + r[..., 2] * 0.15
    y2 = y1 + 0.05 + r[..., 3] * 0.15
    return jnp.stack([x1, y1, x2, y2], axis=-1)


def setup_inputs(seed: int = 0):
    key = jax.random.key(seed)
    k1, k2, k3, k4 = jax.random.split(key, 4)
    pr_boxes = _make_boxes(k1, (8, 1000))
    gt_boxes = _make_boxes(k2, (8, 100))
    pr_class_logits = jax.random.normal(k3, (8, 1000, 91), dtype=jnp.float32)
    gt_classes = jax.random.randint(k4, (8, 100), 0, 91)
    return {"pr_boxes": pr_boxes, "gt_boxes": gt_boxes, "pr_class_logits": pr_class_logits, "gt_classes": gt_classes}


def _box_iou(b1, b2):
    area1 = (b1[:, 2] - b1[:, 0]) * (b1[:, 3] - b1[:, 1])
    area2 = (b2[:, 2] - b2[:, 0]) * (b2[:, 3] - b2[:, 1])
    lt = jnp.maximum(b1[:, None, :2], b2[None, :, :2])
    rb = jnp.minimum(b1[:, None, 2:], b2[None, :, 2:])
    wh = jnp.maximum(rb - lt, 0.0)
    inter = wh[..., 0] * wh[..., 1]
    return inter / (area1[:, None] + area2[None, :] - inter)


def _giou_loss_mean(boxes1, boxes2, eps=1e-7):
    x1, y1, x2, y2 = boxes1[:, 0], boxes1[:, 1], boxes1[:, 2], boxes1[:, 3]
    x1g, y1g, x2g, y2g = boxes2[:, 0], boxes2[:, 1], boxes2[:, 2], boxes2[:, 3]
    xkis1 = jnp.maximum(x1, x1g)
    ykis1 = jnp.maximum(y1, y1g)
    xkis2 = jnp.minimum(x2, x2g)
    ykis2 = jnp.minimum(y2, y2g)
    valid = (ykis2 > ykis1) & (xkis2 > xkis1)
    intsctk = jnp.where(valid, (xkis2 - xkis1) * (ykis2 - ykis1), 0.0)
    unionk = (x2 - x1) * (y2 - y1) + (x2g - x1g) * (y2g - y1g) - intsctk
    iouk = intsctk / (unionk + eps)
    xc1 = jnp.minimum(x1, x1g)
    yc1 = jnp.minimum(y1, y1g)
    xc2 = jnp.maximum(x2, x2g)
    yc2 = jnp.maximum(y2, y2g)
    area_c = (xc2 - xc1) * (yc2 - yc1)
    miouk = iouk - (area_c - unionk) / (area_c + eps)
    return jnp.mean(1.0 - miouk)


def _get_matching(pr_boxes, gt_boxes):
    # greedy maximal-IoU matching, faithful to the torch while-loop
    ious = jax.lax.stop_gradient(_box_iou(pr_boxes, gt_boxes))
    n, m = ious.shape

    def body(count, carry):
        ious, pr_mask, gt_order = carry
        idx = jnp.argmax(ious)
        i = idx // m
        j = idx % m
        pr_mask = pr_mask.at[i].set(True)
        gt_order = gt_order.at[count].set(j)
        ious = ious.at[i, :].set(-jnp.inf)
        ious = ious.at[:, j].set(-jnp.inf)
        return (ious, pr_mask, gt_order)

    init = (ious, jnp.zeros((n,), dtype=bool), jnp.arange(m))
    _, pr_mask, gt_order = jax.lax.fori_loop(0, m, body, init)
    return pr_mask, gt_order


def reference(pr_boxes, gt_boxes, pr_class_logits, gt_classes):
    B, N, _ = pr_boxes.shape
    M = gt_boxes.shape[1]
    l_loss = 0.0
    c_loss = 0.0  # never accumulated in the original module
    count = 0
    for b in range(B):
        pr_b = pr_boxes[b]
        gt_b = gt_boxes[b]
        pr_mask, gt_order = _get_matching(pr_b, gt_b)
        pos_idx = jnp.nonzero(pr_mask, size=M)[0]
        neg_idx = jnp.nonzero(~pr_mask, size=N - M)[0]
        pr_pos = pr_b[pos_idx]
        pr_neg = pr_b[neg_idx]
        gt_pos = gt_b[gt_order]
        gt_neg = jnp.zeros_like(pr_neg)
        l_loss = l_loss + _giou_loss_mean(pr_pos, gt_pos)
        l_loss = l_loss + _giou_loss_mean(pr_neg, gt_neg)
        count = count + 1
    loss = (c_loss + l_loss) / count / 2.0
    return loss

if __name__ == "__main__":
    import jax
    _d = setup_inputs()
    print(jax.jit(kernel)(*tuple(_d.values())))

</pallas_src>

<mosaic_0001>
#map = affine_map<(d0, d1) -> (0, 0, 0)>
module attributes {stable_mosaic.version = 14 : i64} {
  func.func @_sc_greedy_body(%arg0: i32, %arg1: i32, %arg2: memref<8x112x1008xf32, #tpu.memory_space<hbm>>, %arg3: memref<8x1x128xf32, #tpu.memory_space<hbm>>, %arg4: memref<8x1x128xi32, #tpu.memory_space<hbm>>, %arg5: memref<8x1x128xi32, #tpu.memory_space<hbm>>, %arg6: memref<8x1x128xi32, #tpu.memory_space<hbm>>, %arg7: memref<112x1008xf32, #tpu.memory_space<vmem>>, %arg8: memref<128xf32, #tpu.memory_space<vmem>>, %arg9: memref<128xi32, #tpu.memory_space<vmem>>, %arg10: memref<128xi32, #tpu.memory_space<vmem>>, %arg11: memref<128xi32, #tpu.memory_space<vmem>>, %arg12: memref<1008xi32, #tpu.memory_space<vmem>>, %arg13: memref<1xi32, #tpu.memory_space<smem>>) attributes {dimension_semantics = [#tpu.dimension_semantics<core_parallel>, #tpu.dimension_semantics<subcore_parallel>], iteration_bounds = array<i64: 2, 16>, scalar_prefetch = 0 : i64, scratch_operands = 7 : i64, tpu.core_type = #tpu.core_type<sc_vector_subcore>, window_params = [{transform_indices = #map}, {transform_indices = #map}, {transform_indices = #map}, {transform_indices = #map}, {transform_indices = #map}]} {
    %eq3A = arith.constant 0 : i32
    %eq3A_0 = arith.cmpi eq, %arg0, %eq3A : i32
    %lt3A = arith.constant 8 : i32
    %lt3A_1 = arith.cmpi slt, %arg1, %lt3A : i32
    %and3A = arith.andi %eq3A_0, %lt3A_1 : i1
    %convert_element_type3A = arith.extui %and3A : i1 to i32
    %cond3A = arith.constant 0 : i32
    %cond3A_2 = arith.cmpi ne, %convert_element_type3A, %cond3A : i32
    scf.if %cond3A_2 {
      "tpu.region"() ({
        %run_scoped3A_37 = tpu.sem_alloc : memref<!tpu.dma_semaphore, #tpu.memory_space<semaphore_mem>>
        %dma_start3A = arith.constant 0 : i32
        %dma_start3A_38 = arith.constant 0 : i32
        %dma_start3A_39 = tpu.memref_slice %arg2[%arg1, %dma_start3A, %dma_start3A_38] : memref<8x112x1008xf32, #tpu.memory_space<hbm>> -> memref<1x112x1008xf32, #tpu.memory_space<hbm>>
        %dma_start3A_40 = tpu.memref_squeeze %dma_start3A_39 : memref<1x112x1008xf32, #tpu.memory_space<hbm>> -> memref<112x1008xf32, #tpu.memory_space<hbm>>
        %dma_start3A_41 = arith.constant 0 : i32
        %dma_start3A_42 = arith.constant 0 : i32
        %dma_start3A_43 = tpu.memref_slice %arg2[%arg1, %dma_start3A_41, %dma_start3A_42] : memref<8x112x1008xf32, #tpu.memory_space<hbm>> -> memref<1x112x1008xf32, #tpu.memory_space<hbm>>
        %dma_start3A_44 = tpu.memref_squeeze %dma_start3A_43 : memref<1x112x1008xf32, #tpu.memory_space<hbm>> -> memref<112x1008xf32, #tpu.memory_space<hbm>>
        tpu.enqueue_dma source(%dma_start3A_44 : memref<112x1008xf32, #tpu.memory_space<hbm>>) target(%arg7 : memref<112x1008xf32, #tpu.memory_space<vmem>>) target_semaphore(%run_scoped3A_37 : memref<!tpu.dma_semaphore, #tpu.memory_space<semaphore_mem>>)
        %dma_wait3A = arith.constant 0 : i32
        %dma_wait3A_45 = arith.constant 0 : i32
        %dma_wait3A_46 = tpu.memref_slice %arg2[%arg1, %dma_wait3A, %dma_wait3A_45] : memref<8x112x1008xf32, #tpu.memory_space<hbm>> -> memref<1x112x1008xf32, #tpu.memory_space<hbm>>
        %dma_wait3A_47 = tpu.memref_squeeze %dma_wait3A_46 : memref<1x112x1008xf32, #tpu.memory_space<hbm>> -> memref<112x1008xf32, #tpu.memory_space<hbm>>
        %dma_wait3A_48 = arith.constant 0 : i32
        %dma_wait3A_49 = arith.constant 0 : i32
        %dma_wait3A_50 = tpu.memref_slice %arg2[%arg1, %dma_wait3A_48, %dma_wait3A_49] : memref<8x112x1008xf32, #tpu.memory_space<hbm>> -> memref<1x112x1008xf32, #tpu.memory_space<hbm>>
        %dma_wait3A_51 = tpu.memref_squeeze %dma_wait3A_50 : memref<1x112x1008xf32, #tpu.memory_space<hbm>> -> memref<112x1008xf32, #tpu.memory_space<hbm>>
        tpu.wait_dma2 semaphore(%run_scoped3A_37 : memref<!tpu.dma_semaphore, #tpu.memory_space<semaphore_mem>>) src(%dma_wait3A_51 : memref<112x1008xf32, #tpu.memory_space<hbm>>) dst(%arg7 : memref<112x1008xf32, #tpu.memory_space<vmem>>)
        tpu.yield
      }) : () -> ()
      %run_scoped3A = arith.constant 0 : i32
      "tpu.region"() ({
        %run_scoped3A_37 = tpu.sem_alloc : memref<!tpu.dma_semaphore, #tpu.memory_space<semaphore_mem>>
        %dma_start3A = arith.constant 0 : i32
        %dma_start3A_38 = tpu.memref_slice %arg3[%arg1, %run_scoped3A, %dma_start3A] : memref<8x1x128xf32, #tpu.memory_space<hbm>> -> memref<1x1x128xf32, #tpu.memory_space<hbm>>
        %dma_start3A_39 = tpu.memref_squeeze %dma_start3A_38 : memref<1x1x128xf32, #tpu.memory_space<hbm>> -> memref<128xf32, #tpu.memory_space<hbm>>
        %dma_start3A_40 = arith.constant 0 : i32
        %dma_start3A_41 = tpu.memref_slice %arg3[%arg1, %run_scoped3A, %dma_start3A_40] : memref<8x1x128xf32, #tpu.memory_space<hbm>> -> memref<1x1x128xf32, #tpu.memory_space<hbm>>
        %dma_start3A_42 = tpu.memref_squeeze %dma_start3A_41 : memref<1x1x128xf32, #tpu.memory_space<hbm>> -> memref<128xf32, #tpu.memory_space<hbm>>
        tpu.enqueue_dma source(%dma_start3A_42 : memref<128xf32, #tpu.memory_space<hbm>>) target(%arg8 : memref<128xf32, #tpu.memory_space<vmem>>) target_semaphore(%run_scoped3A_37 : memref<!tpu.dma_semaphore, #tpu.memory_space<semaphore_mem>>)
        %dma_wait3A = arith.constant 0 : i32
        %dma_wait3A_43 = tpu.memref_slice %arg3[%arg1, %run_scoped3A, %dma_wait3A] : memref<8x1x128xf32, #tpu.memory_space<hbm>> -> memref<1x1x128xf32, #tpu.memory_space<hbm>>
        %dma_wait3A_44 = tpu.memref_squeeze %dma_wait3A_43 : memref<1x1x128xf32, #tpu.memory_space<hbm>> -> memref<128xf32, #tpu.memory_space<hbm>>
        %dma_wait3A_45 = arith.constant 0 : i32
        %dma_wait3A_46 = tpu.memref_slice %arg3[%arg1, %run_scoped3A, %dma_wait3A_45] : memref<8x1x128xf32, #tpu.memory_space<hbm>> -> memref<1x1x128xf32, #tpu.memory_space<hbm>>
        %dma_wait3A_47 = tpu.memref_squeeze %dma_wait3A_46 : memref<1x1x128xf32, #tpu.memory_space<hbm>> -> memref<128xf32, #tpu.memory_space<hbm>>
        tpu.wait_dma2 semaphore(%run_scoped3A_37 : memref<!tpu.dma_semaphore, #tpu.memory_space<semaphore_mem>>) src(%dma_wait3A_47 : memref<128xf32, #tpu.memory_space<hbm>>) dst(%arg8 : memref<128xf32, #tpu.memory_space<vmem>>)
        tpu.yield
      }) : () -> ()
      %run_scoped3A_3 = arith.constant 0 : i32
      "tpu.region"() ({
        %run_scoped3A_37 = tpu.sem_alloc : memref<!tpu.dma_semaphore, #tpu.memory_space<semaphore_mem>>
        %dma_start3A = arith.constant 0 : i32
        %dma_start3A_38 = tpu.memref_slice %arg4[%arg1, %run_scoped3A_3, %dma_start3A] : memref<8x1x128xi32, #tpu.memory_space<hbm>> -> memref<1x1x128xi32, #tpu.memory_space<hbm>>
        %dma_start3A_39 = tpu.memref_squeeze %dma_start3A_38 : memref<1x1x128xi32, #tpu.memory_space<hbm>> -> memref<128xi32, #tpu.memory_space<hbm>>
        %dma_start3A_40 = arith.constant 0 : i32
        %dma_start3A_41 = tpu.memref_slice %arg4[%arg1, %run_scoped3A_3, %dma_start3A_40] : memref<8x1x128xi32, #tpu.memory_space<hbm>> -> memref<1x1x128xi32, #tpu.memory_space<hbm>>
        %dma_start3A_42 = tpu.memref_squeeze %dma_start3A_41 : memref<1x1x128xi32, #tpu.memory_space<hbm>> -> memref<128xi32, #tpu.memory_space<hbm>>
        tpu.enqueue_dma source(%dma_start3A_42 : memref<128xi32, #tpu.memory_space<hbm>>) target(%arg9 : memref<128xi32, #tpu.memory_space<vmem>>) target_semaphore(%run_scoped3A_37 : memref<!tpu.dma_semaphore, #tpu.memory_space<semaphore_mem>>)
        %dma_wait3A = arith.constant 0 : i32
        %dma_wait3A_43 = tpu.memref_slice %arg4[%arg1, %run_scoped3A_3, %dma_wait3A] : memref<8x1x128xi32, #tpu.memory_space<hbm>> -> memref<1x1x128xi32, #tpu.memory_space<hbm>>
        %dma_wait3A_44 = tpu.memref_squeeze %dma_wait3A_43 : memref<1x1x128xi32, #tpu.memory_space<hbm>> -> memref<128xi32, #tpu.memory_space<hbm>>
        %dma_wait3A_45 = arith.constant 0 : i32
        %dma_wait3A_46 = tpu.memref_slice %arg4[%arg1, %run_scoped3A_3, %dma_wait3A_45] : memref<8x1x128xi32, #tpu.memory_space<hbm>> -> memref<1x1x128xi32, #tpu.memory_space<hbm>>
        %dma_wait3A_47 = tpu.memref_squeeze %dma_wait3A_46 : memref<1x1x128xi32, #tpu.memory_space<hbm>> -> memref<128xi32, #tpu.memory_space<hbm>>
        tpu.wait_dma2 semaphore(%run_scoped3A_37 : memref<!tpu.dma_semaphore, #tpu.memory_space<semaphore_mem>>) src(%dma_wait3A_47 : memref<128xi32, #tpu.memory_space<hbm>>) dst(%arg9 : memref<128xi32, #tpu.memory_space<vmem>>)
        tpu.yield
      }) : () -> ()
      %iota3A = tpu.iota {dimensions = array<i32: 0>} : vector<16xi32>
      %broadcast_in_dim3A = arith.constant 0 : i32
      %broadcast_in_dim3A_4 = vector.broadcast %broadcast_in_dim3A : i32 to vector<16xi32>
      %broadcast_in_dim3A_5 = arith.constant 0xFF800000 : f32
      %broadcast_in_dim3A_6 = vector.broadcast %broadcast_in_dim3A_5 : f32 to vector<16xf32>
      %broadcast_in_dim3A_7 = arith.constant 268435456 : i32
      %broadcast_in_dim3A_8 = vector.broadcast %broadcast_in_dim3A_7 : i32 to vector<16xi32>
      %scan3A = arith.constant 0 : i32
      %scan3A_9 = arith.constant 0 : i32
      %scan3A_10 = arith.constant 8 : i32
      %scan3A_11 = arith.addi %scan3A_9, %scan3A_10 : i32
      %scan3A_12 = arith.constant 1 : i32
      scf.for %scan3A_37 = %scan3A_9 to %scan3A_11 step %scan3A_12  : i32 {
        %mul3A = arith.constant 16 : i32
        %mul3A_38 = arith.muli %scan3A_37, %mul3A : i32
        %swap3A_39 = arith.index_cast %mul3A_38 : i32 to index
        %swap3A_40 = tpu.vector_load %arg10[%swap3A_39] {strides = array<i32>} : memref<128xi32, #tpu.memory_space<vmem>>, vector<16xi32>,
        %swap3A_41 = vector.shape_cast %swap3A_40 : vector<16xi32> to vector<16xi32>
        %swap3A_42 = vector.shape_cast %broadcast_in_dim3A_8 : vector<16xi32> to vector<16xi32>
        tpu.vector_store %arg10[%swap3A_39], %swap3A_42 {strides = array<i32>} : memref<128xi32, #tpu.memory_space<vmem>>, vector<16xi32>,
        %mul3A_43 = arith.constant 16 : i32
        %mul3A_44 = arith.muli %scan3A_37, %mul3A_43 : i32
        %swap3A_45 = arith.index_cast %mul3A_44 : i32 to index
        %swap3A_46 = tpu.vector_load %arg11[%swap3A_45] {strides = array<i32>} : memref<128xi32, #tpu.memory_space<vmem>>, vector<16xi32>,
        %swap3A_47 = vector.shape_cast %swap3A_46 : vector<16xi32> to vector<16xi32>
        %swap3A_48 = vector.shape_cast %broadcast_in_dim3A_4 : vector<16xi32> to vector<16xi32>
        tpu.vector_store %arg11[%swap3A_45], %swap3A_48 {strides = array<i32>} : memref<128xi32, #tpu.memory_space<vmem>>, vector<16xi32>,
      }
      %scan3A_13 = arith.constant 8 : i32
      %scan3A_14 = arith.constant 0 : i32
      %scan3A_15 = arith.constant 0 : i32
      %scan3A_16 = arith.constant 63 : i32
      %scan3A_17 = arith.addi %scan3A_15, %scan3A_16 : i32
      %scan3A_18 = arith.constant 1 : i32
      scf.for %scan3A_37 = %scan3A_15 to %scan3A_17 step %scan3A_18  : i32 {
        %mul3A = arith.constant 16 : i32
        %mul3A_38 = arith.muli %scan3A_37, %mul3A : i32
        %swap3A_39 = arith.index_cast %mul3A_38 : i32 to index
        %swap3A_40 = tpu.vector_load %arg12[%swap3A_39] {strides = array<i32>} : memref<1008xi32, #tpu.memory_space<vmem>>, vector<16xi32>,
        %swap3A_41 = vector.shape_cast %swap3A_40 : vector<16xi32> to vector<16xi32>
        %swap3A_42 = vector.shape_cast %broadcast_in_dim3A_4 : vector<16xi32> to vector<16xi32>
        tpu.vector_store %arg12[%swap3A_39], %swap3A_42 {strides = array<i32>} : memref<1008xi32, #tpu.memory_space<vmem>>, vector<16xi32>,
      }
      %scan3A_19 = arith.constant 63 : i32
      %swap3A = arith.constant 0 : i32
      %swap3A_20 = arith.constant 0 : i32
      %swap3A_21 = arith.index_cast %swap3A_20 : i32 to index
      %swap3A_22 = memref.load %arg13[%swap3A_21] : memref<1xi32, #tpu.memory_space<smem>>
      memref.store %swap3A, %arg13[%swap3A_21] : memref<1xi32, #tpu.memory_space<smem>>
      %scan3A_23 = arith.constant 0 : i32
      %scan3A_24 = arith.constant 0 : i32
      %scan3A_25 = arith.constant 288 : i32
      %scan3A_26 = arith.addi %scan3A_24, %scan3A_25 : i32
      %scan3A_27 = arith.constant 1 : i32
      scf.for %scan3A_37 = %scan3A_24 to %scan3A_26 step %scan3A_27  : i32 {
        %get3A = arith.constant 0 : i32
        %get3A_38 = arith.index_cast %get3A : i32 to index
        %get3A_39 = memref.load %arg13[%get3A_38] : memref<1xi32, #tpu.memory_space<smem>>
        %lt3A_40 = arith.constant 100 : i32
        %lt3A_41 = arith.cmpi slt, %get3A_39, %lt3A_40 : i32
        %convert_element_type3A_42 = arith.extui %lt3A_41 : i1 to i32
        %cond3A_43 = arith.constant 0 : i32
        %cond3A_44 = arith.cmpi ne, %convert_element_type3A_42, %cond3A_43 : i32
        scf.if %cond3A_44 {
          %get3A_45 = arith.constant 0 : index
          %get3A_46 = tpu.vector_load %arg8[%get3A_45] {strides = array<i32>} : memref<128xf32, #tpu.memory_space<vmem>>, vector<16xf32>,
          %get3A_47 = vector.shape_cast %get3A_46 : vector<16xf32> to vector<16xf32>
          %max3A = arith.maximumf %broadcast_in_dim3A_6, %get3A_47 : vector<16xf32>
          %get3A_48 = arith.constant 16 : index
          %get3A_49 = tpu.vector_load %arg8[%get3A_48] {strides = array<i32>} : memref<128xf32, #tpu.memory_space<vmem>>, vector<16xf32>,
          %get3A_50 = vector.shape_cast %get3A_49 : vector<16xf32> to vector<16xf32>
          %max3A_51 = arith.maximumf %max3A, %get3A_50 : vector<16xf32>
          %get3A_52 = arith.constant 32 : index
          %get3A_53 = tpu.vector_load %arg8[%get3A_52] {strides = array<i32>} : memref<128xf32, #tpu.memory_space<vmem>>, vector<16xf32>,
          %get3A_54 = vector.shape_cast %get3A_53 : vector<16xf32> to vector<16xf32>
          %max3A_55 = arith.maximumf %max3A_51, %get3A_54 : vector<16xf32>
          %get3A_56 = arith.constant 48 : index
          %get3A_57 = tpu.vector_load %arg8[%get3A_56] {strides = array<i32>} : memref<128xf32, #tpu.memory_space<vmem>>, vector<16xf32>,
          %get3A_58 = vector.shape_cast %get3A_57 : vector<16xf32> to vector<16xf32>
          %max3A_59 = arith.maximumf %max3A_55, %get3A_58 : vector<16xf32>
          %get3A_60 = arith.constant 64 : index
          %get3A_61 = tpu.vector_load %arg8[%get3A_60] {strides = array<i32>} : memref<128xf32, #tpu.memory_space<vmem>>, vector<16xf32>,
          %get3A_62 = vector.shape_cast %get3A_61 : vector<16xf32> to vector<16xf32>
          %max3A_63 = arith.maximumf %max3A_59, %get3A_62 : vector<16xf32>
          %get3A_64 = arith.constant 80 : index
          %get3A_65 = tpu.vector_load %arg8[%get3A_64] {strides = array<i32>} : memref<128xf32, #tpu.memory_space<vmem>>, vector<16xf32>,
          %get3A_66 = vector.shape_cast %get3A_65 : vector<16xf32> to vector<16xf32>
          %max3A_67 = arith.maximumf %max3A_63, %get3A_66 : vector<16xf32>
          %get3A_68 = arith.constant 96 : index
          %get3A_69 = tpu.vector_load %arg8[%get3A_68] {strides = array<i32>} : memref<128xf32, #tpu.memory_space<vmem>>, vector<16xf32>,
          %get3A_70 = vector.shape_cast %get3A_69 : vector<16xf32> to vector<16xf32>
          %max3A_71 = arith.maximumf %max3A_67, %get3A_70 : vector<16xf32>
          %xor3A = arith.constant 1 : i32
          %xor3A_72 = vector.broadcast %xor3A : i32 to vector<16xi32>
          %xor3A_73 = arith.xori %iota3A, %xor3A_72 : vector<16xi32>
          %lt3A_74 = arith.constant 0 : i32
          %lt3A_75 = vector.broadcast %lt3A_74 : i32 to vector<16xi32>
          %lt3A_76 = arith.cmpi slt, %xor3A_73, %lt3A_75 : vector<16xi32>
          %add3A = arith.constant 16 : i32
          %add3A_77 = vector.broadcast %add3A : i32 to vector<16xi32>
          %add3A_78 = arith.addi %xor3A_73, %add3A_77 : vector<16xi32>
          %select_n3A = arith.select %lt3A_76, %add3A_78, %xor3A_73 : vector<16xi1>, vector<16xi32>
          %broadcast_in_dim3A_79 = vector.shape_cast %select_n3A : vector<16xi32> to vector<16x1xi32>
          %gather3A = vector.shape_cast %broadcast_in_dim3A_79 : vector<16x1xi32> to vector<16xi32>
          %gather3A_80 = tpu.dynamic_gather %max3A_71[%gather3A] in [0] : vector<16xf32>, vector<16xi32> -> vector<16xf32>
          %max3A_81 = arith.maximumf %max3A_71, %gather3A_80 : vector<16xf32>
          %xor3A_82 = arith.constant 2 : i32
          %xor3A_83 = vector.broadcast %xor3A_82 : i32 to vector<16xi32>
          %xor3A_84 = arith.xori %iota3A, %xor3A_83 : vector<16xi32>
          %lt3A_85 = arith.constant 0 : i32
          %lt3A_86 = vector.broadcast %lt3A_85 : i32 to vector<16xi32>
          %lt3A_87 = arith.cmpi slt, %xor3A_84, %lt3A_86 : vector<16xi32>
          %add3A_88 = arith.constant 16 : i32
          %add3A_89 = vector.broadcast %add3A_88 : i32 to vector<16xi32>
          %add3A_90 = arith.addi %xor3A_84, %add3A_89 : vector<16xi32>
          %select_n3A_91 = arith.select %lt3A_87, %add3A_90, %xor3A_84 : vector<16xi1>, vector<16xi32>
          %broadcast_in_dim3A_92 = vector.shape_cast %select_n3A_91 : vector<16xi32> to vector<16x1xi32>
          %gather3A_93 = vector.shape_cast %broadcast_in_dim3A_92 : vector<16x1xi32> to vector<16xi32>
          %gather3A_94 = tpu.dynamic_gather %max3A_81[%gather3A_93] in [0] : vector<16xf32>, vector<16xi32> -> vector<16xf32>
          %max3A_95 = arith.maximumf %max3A_81, %gather3A_94 : vector<16xf32>
          %xor3A_96 = arith.constant 4 : i32
          %xor3A_97 = vector.broadcast %xor3A_96 : i32 to vector<16xi32>
          %xor3A_98 = arith.xori %iota3A, %xor3A_97 : vector<16xi32>
          %lt3A_99 = arith.constant 0 : i32
          %lt3A_100 = vector.broadcast %lt3A_99 : i32 to vector<16xi32>
          %lt3A_101 = arith.cmpi slt, %xor3A_98, %lt3A_100 : vector<16xi32>
          %add3A_102 = arith.constant 16 : i32
          %add3A_103 = vector.broadcast %add3A_102 : i32 to vector<16xi32>
          %add3A_104 = arith.addi %xor3A_98, %add3A_103 : vector<16xi32>
          %select_n3A_105 = arith.select %lt3A_101, %add3A_104, %xor3A_98 : vector<16xi1>, vector<16xi32>
          %broadcast_in_dim3A_106 = vector.shape_cast %select_n3A_105 : vector<16xi32> to vector<16x1xi32>
          %gather3A_107 = vector.shape_cast %broadcast_in_dim3A_106 : vector<16x1xi32> to vector<16xi32>
          %gather3A_108 = tpu.dynamic_gather %max3A_95[%gather3A_107] in [0] : vector<16xf32>, vector<16xi32> -> vector<16xf32>
          %max3A_109 = arith.maximumf %max3A_95, %gather3A_108 : vector<16xf32>
          %xor3A_110 = arith.constant 8 : i32
          %xor3A_111 = vector.broadcast %xor3A_110 : i32 to vector<16xi32>
          %xor3A_112 = arith.xori %iota3A, %xor3A_111 : vector<16xi32>
          %lt3A_113 = arith.constant 0 : i32
          %lt3A_114 = vector.broadcast %lt3A_113 : i32 to vector<16xi32>
          %lt3A_115 = arith.cmpi slt, %xor3A_112, %lt3A_114 : vector<16xi32>
          %add3A_116 = arith.constant 16 : i32
          %add3A_117 = vector.broadcast %add3A_116 : i32 to vector<16xi32>
          %add3A_118 = arith.addi %xor3A_112, %add3A_117 : vector<16xi32>
          %select_n3A_119 = arith.select %lt3A_115, %add3A_118, %xor3A_112 : vector<16xi1>, vector<16xi32>
          %broadcast_in_dim3A_120 = vector.shape_cast %select_n3A_119 : vector<16xi32> to vector<16x1xi32>
          %gather3A_121 = vector.shape_cast %broadcast_in_dim3A_120 : vector<16x1xi32> to vector<16xi32>
          %gather3A_122 = tpu.dynamic_gather %max3A_109[%gather3A_121] in [0] : vector<16xf32>, vector<16xi32> -> vector<16xf32>
          %max3A_123 = arith.maximumf %max3A_109, %gather3A_122 : vector<16xf32>
          %get3A_124 = arith.constant 0 : index
          %get3A_125 = tpu.vector_load %arg8[%get3A_124] {strides = array<i32>} : memref<128xf32, #tpu.memory_space<vmem>>, vector<16xf32>,
          %get3A_126 = vector.shape_cast %get3A_125 : vector<16xf32> to vector<16xf32>
          %get3A_127 = arith.constant 0 : index
          %get3A_128 = tpu.vector_load %arg9[%get3A_127] {strides = array<i32>} : memref<128xi32, #tpu.memory_space<vmem>>, vector<16xi32>,
          %get3A_129 = vector.shape_cast %get3A_128 : vector<16xi32> to vector<16xi32>
          %eq3A_130 = arith.cmpf oeq, %get3A_126, %max3A_123 : vector<16xf32>
          %mul3A = arith.constant 128 : i32
          %mul3A_131 = vector.broadcast %mul3A : i32 to vector<16xi32>
          %mul3A_132 = arith.muli %get3A_129, %mul3A_131 : vector<16xi32>
          %add3A_133 = arith.constant 0 : i32
          %add3A_134 = vector.broadcast %add3A_133 : i32 to vector<16xi32>
          %add3A_135 = arith.addi %iota3A, %add3A_134 : vector<16xi32>
          %add3A_136 = arith.addi %mul3A_132, %add3A_135 : vector<16xi32>
          %jit3A = arith.constant 268435456 : i32
          %broadcast_in_dim3A_137 = vector.broadcast %jit3A : i32 to vector<16xi32>
          %select_n3A_138 = arith.select %eq3A_130, %add3A_136, %broadcast_in_dim3A_137 : vector<16xi1>, vector<16xi32>
          %min3A = arith.minsi %broadcast_in_dim3A_8, %select_n3A_138 : vector<16xi32>
          %get3A_139 = arith.constant 16 : index
          %get3A_140 = tpu.vector_load %arg8[%get3A_139] {strides = array<i32>} : memref<128xf32, #tpu.memory_space<vmem>>, vector<16xf32>,
          %get3A_141 = vector.shape_cast %get3A_140 : vector<16xf32> to vector<16xf32>
          %get3A_142 = arith.constant 16 : index
          %get3A_143 = tpu.vector_load %arg9[%get3A_142] {strides = array<i32>} : memref<128xi32, #tpu.memory_space<vmem>>, vector<16xi32>,
          %get3A_144 = vector.shape_cast %get3A_143 : vector<16xi32> to vector<16xi32>
          %eq3A_145 = arith.cmpf oeq, %get3A_141, %max3A_123 : vector<16xf32>
          %mul3A_146 = arith.constant 128 : i32
          %mul3A_147 = vector.broadcast %mul3A_146 : i32 to vector<16xi32>
          %mul3A_148 = arith.muli %get3A_144, %mul3A_147 : vector<16xi32>
          %add3A_149 = arith.constant 16 : i32
          %add3A_150 = vector.broadcast %add3A_149 : i32 to vector<16xi32>
          %add3A_151 = arith.addi %iota3A, %add3A_150 : vector<16xi32>
          %add3A_152 = arith.addi %mul3A_148, %add3A_151 : vector<16xi32>
          %jit3A_153 = arith.constant 268435456 : i32
          %broadcast_in_dim3A_154 = vector.broadcast %jit3A_153 : i32 to vector<16xi32>
          %select_n3A_155 = arith.select %eq3A_145, %add3A_152, %broadcast_in_dim3A_154 : vector<16xi1>, vector<16xi32>
          %min3A_156 = arith.minsi %min3A, %select_n3A_155 : vector<16xi32>
          %get3A_157 = arith.constant 32 : index
          %get3A_158 = tpu.vector_load %arg8[%get3A_157] {strides = array<i32>} : memref<128xf32, #tpu.memory_space<vmem>>, vector<16xf32>,
          %get3A_159 = vector.shape_cast %get3A_158 : vector<16xf32> to vector<16xf32>
          %get3A_160 = arith.constant 32 : index
          %get3A_161 = tpu.vector_load %arg9[%get3A_160] {strides = array<i32>} : memref<128xi32, #tpu.memory_space<vmem>>, vector<16xi32>,
          %get3A_162 = vector.shape_cast %get3A_161 : vector<16xi32> to vector<16xi32>
          %eq3A_163 = arith.cmpf oeq, %get3A_159, %max3A_123 : vector<16xf32>
          %mul3A_164 = arith.constant 128 : i32
          %mul3A_165 = vector.broadcast %mul3A_164 : i32 to vector<16xi32>
          %mul3A_166 = arith.muli %get3A_162, %mul3A_165 : vector<16xi32>
          %add3A_167 = arith.constant 32 : i32
          %add3A_168 = vector.broadcast %add3A_167 : i32 to vector<16xi32>
          %add3A_169 = arith.addi %iota3A, %add3A_168 : vector<16xi32>
          %add3A_170 = arith.addi %mul3A_166, %add3A_169 : vector<16xi32>
          %jit3A_171 = arith.constant 268435456 : i32
          %broadcast_in_dim3A_172 = vector.broadcast %jit3A_171 : i32 to vector<16xi32>
          %select_n3A_173 = arith.select %eq3A_163, %add3A_170, %broadcast_in_dim3A_172 : vector<16xi1>, vector<16xi32>
          %min3A_174 = arith.minsi %min3A_156, %select_n3A_173 : vector<16xi32>
          %get3A_175 = arith.constant 48 : index
          %get3A_176 = tpu.vector_load %arg8[%get3A_175] {strides = array<i32>} : memref<128xf32, #tpu.memory_space<vmem>>, vector<16xf32>,
          %get3A_177 = vector.shape_cast %get3A_176 : vector<16xf32> to vector<16xf32>
          %get3A_178 = arith.constant 48 : index
          %get3A_179 = tpu.vector_load %arg9[%get3A_178] {strides = array<i32>} : memref<128xi32, #tpu.memory_space<vmem>>, vector<16xi32>,
          %get3A_180 = vector.shape_cast %get3A_179 : vector<16xi32> to vector<16xi32>
          %eq3A_181 = arith.cmpf oeq, %get3A_177, %max3A_123 : vector<16xf32>
          %mul3A_182 = arith.constant 128 : i32
          %mul3A_183 = vector.broadcast %mul3A_182 : i32 to vector<16xi32>
          %mul3A_184 = arith.muli %get3A_180, %mul3A_183 : vector<16xi32>
          %add3A_185 = arith.constant 48 : i32
          %add3A_186 = vector.broadcast %add3A_185 : i32 to vector<16xi32>
          %add3A_187 = arith.addi %iota3A, %add3A_186 : vector<16xi32>
          %add3A_188 = arith.addi %mul3A_184, %add3A_187 : vector<16xi32>
          %jit3A_189 = arith.constant 268435456 : i32
          %broadcast_in_dim3A_190 = vector.broadcast %jit3A_189 : i32 to vector<16xi32>
          %select_n3A_191 = arith.select %eq3A_181, %add3A_188, %broadcast_in_dim3A_190 : vector<16xi1>, vector<16xi32>
          %min3A_192 = arith.minsi %min3A_174, %select_n3A_191 : vector<16xi32>
          %get3A_193 = arith.constant 64 : index
          %get3A_194 = tpu.vector_load %arg8[%get3A_193] {strides = array<i32>} : memref<128xf32, #tpu.memory_space<vmem>>, vector<16xf32>,
          %get3A_195 = vector.shape_cast %get3A_194 : vector<16xf32> to vector<16xf32>
          %get3A_196 = arith.constant 64 : index
          %get3A_197 = tpu.vector_load %arg9[%get3A_196] {strides = array<i32>} : memref<128xi32, #tpu.memory_space<vmem>>, vector<16xi32>,
          %get3A_198 = vector.shape_cast %get3A_197 : vector<16xi32> to vector<16xi32>
          %eq3A_199 = arith.cmpf oeq, %get3A_195, %max3A_123 : vector<16xf32>
          %mul3A_200 = arith.constant 128 : i32
          %mul3A_201 = vector.broadcast %mul3A_200 : i32 to vector<16xi32>
          %mul3A_202 = arith.muli %get3A_198, %mul3A_201 : vector<16xi32>
          %add3A_203 = arith.constant 64 : i32
          %add3A_204 = vector.broadcast %add3A_203 : i32 to vector<16xi32>
          %add3A_205 = arith.addi %iota3A, %add3A_204 : vector<16xi32>
          %add3A_206 = arith.addi %mul3A_202, %add3A_205 : vector<16xi32>
          %jit3A_207 = arith.constant 268435456 : i32
          %broadcast_in_dim3A_208 = vector.broadcast %jit3A_207 : i32 to vector<16xi32>
          %select_n3A_209 = arith.select %eq3A_199, %add3A_206, %broadcast_in_dim3A_208 : vector<16xi1>, vector<16xi32>
          %min3A_210 = arith.minsi %min3A_192, %select_n3A_209 : vector<16xi32>
          %get3A_211 = arith.constant 80 : index
          %get3A_212 = tpu.vector_load %arg8[%get3A_211] {strides = array<i32>} : memref<128xf32, #tpu.memory_space<vmem>>, vector<16xf32>,
          %get3A_213 = vector.shape_cast %get3A_212 : vector<16xf32> to vector<16xf32>
          %get3A_214 = arith.constant 80 : index
          %get3A_215 = tpu.vector_load %arg9[%get3A_214] {strides = array<i32>} : memref<128xi32, #tpu.memory_space<vmem>>, vector<16xi32>,
          %get3A_216 = vector.shape_cast %get3A_215 : vector<16xi32> to vector<16xi32>
          %eq3A_217 = arith.cmpf oeq, %get3A_213, %max3A_123 : vector<16xf32>
          %mul3A_218 = arith.constant 128 : i32
          %mul3A_219 = vector.broadcast %mul3A_218 : i32 to vector<16xi32>
          %mul3A_220 = arith.muli %get3A_216, %mul3A_219 : vector<16xi32>
          %add3A_221 = arith.constant 80 : i32
          %add3A_222 = vector.broadcast %add3A_221 : i32 to vector<16xi32>
          %add3A_223 = arith.addi %iota3A, %add3A_222 : vector<16xi32>
          %add3A_224 = arith.addi %mul3A_220, %add3A_223 : vector<16xi32>
          %jit3A_225 = arith.constant 268435456 : i32
          %broadcast_in_dim3A_226 = vector.broadcast %jit3A_225 : i32 to vector<16xi32>
          %select_n3A_227 = arith.select %eq3A_217, %add3A_224, %broadcast_in_dim3A_226 : vector<16xi1>, vector<16xi32>
          %min3A_228 = arith.minsi %min3A_210, %select_n3A_227 : vector<16xi32>
          %get3A_229 = arith.constant 96 : index
          %get3A_230 = tpu.vector_load %arg8[%get3A_229] {strides = array<i32>} : memref<128xf32, #tpu.memory_space<vmem>>, vector<16xf32>,
          %get3A_231 = vector.shape_cast %get3A_230 : vector<16xf32> to vector<16xf32>
          %get3A_232 = arith.constant 96 : index
          %get3A_233 = tpu.vector_load %arg9[%get3A_232] {strides = array<i32>} : memref<128xi32, #tpu.memory_space<vmem>>, vector<16xi32>,
          %get3A_234 = vector.shape_cast %get3A_233 : vector<16xi32> to vector<16xi32>
          %eq3A_235 = arith.cmpf oeq, %get3A_231, %max3A_123 : vector<16xf32>
          %mul3A_236 = arith.constant 128 : i32
          %mul3A_237 = vector.broadcast %mul3A_236 : i32 to vector<16xi32>
          %mul3A_238 = arith.muli %get3A_234, %mul3A_237 : vector<16xi32>
          %add3A_239 = arith.constant 96 : i32
          %add3A_240 = vector.broadcast %add3A_239 : i32 to vector<16xi32>
          %add3A_241 = arith.addi %iota3A, %add3A_240 : vector<16xi32>
          %add3A_242 = arith.addi %mul3A_238, %add3A_241 : vector<16xi32>
          %jit3A_243 = arith.constant 268435456 : i32
          %broadcast_in_dim3A_244 = vector.broadcast %jit3A_243 : i32 to vector<16xi32>
          %select_n3A_245 = arith.select %eq3A_235, %add3A_242, %broadcast_in_dim3A_244 : vector<16xi1>, vector<16xi32>
          %min3A_246 = arith.minsi %min3A_228, %select_n3A_245 : vector<16xi32>
          %xor3A_247 = arith.constant 1 : i32
          %xor3A_248 = vector.broadcast %xor3A_247 : i32 to vector<16xi32>
          %xor3A_249 = arith.xori %iota3A, %xor3A_248 : vector<16xi32>
          %lt3A_250 = arith.constant 0 : i32
          %lt3A_251 = vector.broadcast %lt3A_250 : i32 to vector<16xi32>
          %lt3A_252 = arith.cmpi slt, %xor3A_249, %lt3A_251 : vector<16xi32>
          %add3A_253 = arith.constant 16 : i32
          %add3A_254 = vector.broadcast %add3A_253 : i32 to vector<16xi32>
          %add3A_255 = arith.addi %xor3A_249, %add3A_254 : vector<16xi32>
          %select_n3A_256 = arith.select %lt3A_252, %add3A_255, %xor3A_249 : vector<16xi1>, vector<16xi32>
          %broadcast_in_dim3A_257 = vector.shape_cast %select_n3A_256 : vector<16xi32> to vector<16x1xi32>
          %gather3A_258 = vector.shape_cast %broadcast_in_dim3A_257 : vector<16x1xi32> to vector<16xi32>
          %gather3A_259 = tpu.dynamic_gather %min3A_246[%gather3A_258] in [0] : vector<16xi32>, vector<16xi32> -> vector<16xi32>
          %min3A_260 = arith.minsi %min3A_246, %gather3A_259 : vector<16xi32>
          %xor3A_261 = arith.constant 2 : i32
          %xor3A_262 = vector.broadcast %xor3A_261 : i32 to vector<16xi32>
          %xor3A_263 = arith.xori %iota3A, %xor3A_262 : vector<16xi32>
          %lt3A_264 = arith.constant 0 : i32
          %lt3A_265 = vector.broadcast %lt3A_264 : i32 to vector<16xi32>
          %lt3A_266 = arith.cmpi slt, %xor3A_263, %lt3A_265 : vector<16xi32>
          %add3A_267 = arith.constant 16 : i32
          %add3A_268 = vector.broadcast %add3A_267 : i32 to vector<16xi32>
          %add3A_269 = arith.addi %xor3A_263, %add3A_268 : vector<16xi32>
          %select_n3A_270 = arith.select %lt3A_266, %add3A_269, %xor3A_263 : vector<16xi1>, vector<16xi32>
          %broadcast_in_dim3A_271 = vector.shape_cast %select_n3A_270 : vector<16xi32> to vector<16x1xi32>
          %gather3A_272 = vector.shape_cast %broadcast_in_dim3A_271 : vector<16x1xi32> to vector<16xi32>
          %gather3A_273 = tpu.dynamic_gather %min3A_260[%gather3A_272] in [0] : vector<16xi32>, vector<16xi32> -> vector<16xi32>
          %min3A_274 = arith.minsi %min3A_260, %gather3A_273 : vector<16xi32>
          %xor3A_275 = arith.constant 4 : i32
          %xor3A_276 = vector.broadcast %xor3A_275 : i32 to vector<16xi32>
          %xor3A_277 = arith.xori %iota3A, %xor3A_276 : vector<16xi32>
          %lt3A_278 = arith.constant 0 : i32
          %lt3A_279 = vector.broadcast %lt3A_278 : i32 to vector<16xi32>
          %lt3A_280 = arith.cmpi slt, %xor3A_277, %lt3A_279 : vector<16xi32>
          %add3A_281 = arith.constant 16 : i32
          %add3A_282 = vector.broadcast %add3A_281 : i32 to vector<16xi32>
          %add3A_283 = arith.addi %xor3A_277, %add3A_282 : vector<16xi32>
          %select_n3A_284 = arith.select %lt3A_280, %add3A_283, %xor3A_277 : vector<16xi1>, vector<16xi32>
          %broadcast_in_dim3A_285 = vector.shape_cast %select_n3A_284 : vector<16xi32> to vector<16x1xi32>
          %gather3A_286 = vector.shape_cast %broadcast_in_dim3A_285 : vector<16x1xi32> to vector<16xi32>
          %gather3A_287 = tpu.dynamic_gather %min3A_274[%gather3A_286] in [0] : vector<16xi32>, vector<16xi32> -> vector<16xi32>
          %min3A_288 = arith.minsi %min3A_274, %gather3A_287 : vector<16xi32>
          %xor3A_289 = arith.constant 8 : i32
          %xor3A_290 = vector.broadcast %xor3A_289 : i32 to vector<16xi32>
          %xor3A_291 = arith.xori %iota3A, %xor3A_290 : vector<16xi32>
          %lt3A_292 = arith.constant 0 : i32
          %lt3A_293 = vector.broadcast %lt3A_292 : i32 to vector<16xi32>
          %lt3A_294 = arith.cmpi slt, %xor3A_291, %lt3A_293 : vector<16xi32>
          %add3A_295 = arith.constant 16 : i32
          %add3A_296 = vector.broadcast %add3A_295 : i32 to vector<16xi32>
          %add3A_297 = arith.addi %xor3A_291, %add3A_296 : vector<16xi32>
          %select_n3A_298 = arith.select %lt3A_294, %add3A_297, %xor3A_291 : vector<16xi1>, vector<16xi32>
          %broadcast_in_dim3A_299 = vector.shape_cast %select_n3A_298 : vector<16xi32> to vector<16x1xi32>
          %gather3A_300 = vector.shape_cast %broadcast_in_dim3A_299 : vector<16x1xi32> to vector<16xi32>
          %gather3A_301 = tpu.dynamic_gather %min3A_288[%gather3A_300] in [0] : vector<16xi32>, vector<16xi32> -> vector<16xi32>
          %min3A_302 = arith.minsi %min3A_288, %gather3A_301 : vector<16xi32>
          %slice3A = vector.extract_strided_slice %min3A_302 {offsets = [0], sizes = [1], strides = [1]} : vector<16xi32> to vector<1xi32>
          %squeeze3A = vector.extract %slice3A[0] : i32 from vector<1xi32>
          %shift_right_logical3A = arith.constant 7 : i32
          %shift_right_logical3A_303 = arith.shrui %squeeze3A, %shift_right_logical3A : i32
          %and3A_304 = arith.constant 127 : i32
          %and3A_305 = arith.andi %squeeze3A, %and3A_304 : i32
          %shift_right_arithmetic3A = arith.constant 4 : i32
          %shift_right_arithmetic3A_306 = arith.shrsi %shift_right_logical3A_303, %shift_right_arithmetic3A : i32
          %mul3A_307 = arith.constant 16 : i32
          %mul3A_308 = arith.muli %shift_right_arithmetic3A_306, %mul3A_307 : i32
          %get3A_309 = arith.index_cast %mul3A_308 : i32 to index
          %get3A_310 = tpu.vector_load %arg12[%get3A_309] {strides = array<i32>} : memref<1008xi32, #tpu.memory_space<vmem>>, vector<16xi32>,
          %get3A_311 = vector.shape_cast %get3A_310 : vector<16xi32> to vector<16xi32>
          %and3A_312 = arith.constant 15 : i32
          %and3A_313 = arith.andi %shift_right_logical3A_303, %and3A_312 : i32
          %eq3A_314 = vector.broadcast %and3A_313 : i32 to vector<16xi32>
          %eq3A_315 = arith.cmpi eq, %iota3A, %eq3A_314 : vector<16xi32>
          %jit3A_316 = arith.constant -1073741824 : i32
          %broadcast_in_dim3A_317 = vector.broadcast %jit3A_316 : i32 to vector<16xi32>
          %select_n3A_318 = arith.select %eq3A_315, %get3A_311, %broadcast_in_dim3A_317 : vector<16xi1>, vector<16xi32>
          %xor3A_319 = arith.constant 1 : i32
          %xor3A_320 = vector.broadcast %xor3A_319 : i32 to vector<16xi32>
          %xor3A_321 = arith.xori %iota3A, %xor3A_320 : vector<16xi32>
          %lt3A_322 = arith.constant 0 : i32
          %lt3A_323 = vector.broadcast %lt3A_322 : i32 to vector<16xi32>
          %lt3A_324 = arith.cmpi slt, %xor3A_321, %lt3A_323 : vector<16xi32>
          %add3A_325 = arith.constant 16 : i32
          %add3A_326 = vector.broadcast %add3A_325 : i32 to vector<16xi32>
          %add3A_327 = arith.addi %xor3A_321, %add3A_326 : vector<16xi32>
          %select_n3A_328 = arith.select %lt3A_324, %add3A_327, %xor3A_321 : vector<16xi1>, vector<16xi32>
          %broadcast_in_dim3A_329 = vector.shape_cast %select_n3A_328 : vector<16xi32> to vector<16x1xi32>
          %gather3A_330 = vector.shape_cast %broadcast_in_dim3A_329 : vector<16x1xi32> to vector<16xi32>
          %gather3A_331 = tpu.dynamic_gather %select_n3A_318[%gather3A_330] in [0] : vector<16xi32>, vector<16xi32> -> vector<16xi32>
          %max3A_332 = arith.maxsi %select_n3A_318, %gather3A_331 : vector<16xi32>
          %xor3A_333 = arith.constant 2 : i32
          %xor3A_334 = vector.broadcast %xor3A_333 : i32 to vector<16xi32>
          %xor3A_335 = arith.xori %iota3A, %xor3A_334 : vector<16xi32>
          %lt3A_336 = arith.constant 0 : i32
          %lt3A_337 = vector.broadcast %lt3A_336 : i32 to vector<16xi32>
          %lt3A_338 = arith.cmpi slt, %xor3A_335, %lt3A_337 : vector<16xi32>
          %add3A_339 = arith.constant 16 : i32
          %add3A_340 = vector.broadcast %add3A_339 : i32 to vector<16xi32>
          %add3A_341 = arith.addi %xor3A_335, %add3A_340 : vector<16xi32>
          %select_n3A_342 = arith.select %lt3A_338, %add3A_341, %xor3A_335 : vector<16xi1>, vector<16xi32>
          %broadcast_in_dim3A_343 = vector.shape_cast %select_n3A_342 : vector<16xi32> to vector<16x1xi32>
          %gather3A_344 = vector.shape_cast %broadcast_in_dim3A_343 : vector<16x1xi32> to vector<16xi32>
          %gather3A_345 = tpu.dynamic_gather %max3A_332[%gather3A_344] in [0] : vector<16xi32>, vector<16xi32> -> vector<16xi32>
          %max3A_346 = arith.maxsi %max3A_332, %gather3A_345 : vector<16xi32>
          %xor3A_347 = arith.constant 4 : i32
          %xor3A_348 = vector.broadcast %xor3A_347 : i32 to vector<16xi32>
          %xor3A_349 = arith.xori %iota3A, %xor3A_348 : vector<16xi32>
          %lt3A_350 = arith.constant 0 : i32
          %lt3A_351 = vector.broadcast %lt3A_350 : i32 to vector<16xi32>
          %lt3A_352 = arith.cmpi slt, %xor3A_349, %lt3A_351 : vector<16xi32>
          %add3A_353 = arith.constant 16 : i32
          %add3A_354 = vector.broadcast %add3A_353 : i32 to vector<16xi32>
          %add3A_355 = arith.addi %xor3A_349, %add3A_354 : vector<16xi32>
          %select_n3A_356 = arith.select %lt3A_352, %add3A_355, %xor3A_349 : vector<16xi1>, vector<16xi32>
          %broadcast_in_dim3A_357 = vector.shape_cast %select_n3A_356 : vector<16xi32> to vector<16x1xi32>
          %gather3A_358 = vector.shape_cast %broadcast_in_dim3A_357 : vector<16x1xi32> to vector<16xi32>
          %gather3A_359 = tpu.dynamic_gather %max3A_346[%gather3A_358] in [0] : vector<16xi32>, vector<16xi32> -> vector<16xi32>
          %max3A_360 = arith.maxsi %max3A_346, %gather3A_359 : vector<16xi32>
          %xor3A_361 = arith.constant 8 : i32
          %xor3A_362 = vector.broadcast %xor3A_361 : i32 to vector<16xi32>
          %xor3A_363 = arith.xori %iota3A, %xor3A_362 : vector<16xi32>
          %lt3A_364 = arith.constant 0 : i32
          %lt3A_365 = vector.broadcast %lt3A_364 : i32 to vector<16xi32>
          %lt3A_366 = arith.cmpi slt, %xor3A_363, %lt3A_365 : vector<16xi32>
          %add3A_367 = arith.constant 16 : i32
          %add3A_368 = vector.broadcast %add3A_367 : i32 to vector<16xi32>
          %add3A_369 = arith.addi %xor3A_363, %add3A_368 : vector<16xi32>
          %select_n3A_370 = arith.select %lt3A_366, %add3A_369, %xor3A_363 : vector<16xi1>, vector<16xi32>
          %broadcast_in_dim3A_371 = vector.shape_cast %select_n3A_370 : vector<16xi32> to vector<16x1xi32>
          %gather3A_372 = vector.shape_cast %broadcast_in_dim3A_371 : vector<16x1xi32> to vector<16xi32>
          %gather3A_373 = tpu.dynamic_gather %max3A_360[%gather3A_372] in [0] : vector<16xi32>, vector<16xi32> -> vector<16xi32>
          %max3A_374 = arith.maxsi %max3A_360, %gather3A_373 : vector<16xi32>
          %slice3A_375 = vector.extract_strided_slice %max3A_374 {offsets = [0], sizes = [1], strides = [1]} : vector<16xi32> to vector<1xi32>
          %squeeze3A_376 = vector.extract %slice3A_375[0] : i32 from vector<1xi32>
          %eq3A_377 = arith.constant 0 : i32
          %eq3A_378 = arith.cmpi eq, %squeeze3A_376, %eq3A_377 : i32
          %convert_element_type3A_379 = arith.extui %eq3A_378 : i1 to i32
          %cond3A_380 = arith.constant 0 : i32
          %cond3A_381 = arith.cmpi ne, %convert_element_type3A_379, %cond3A_380 : i32
          scf.if %cond3A_381 {
            %shift_right_arithmetic3A_386 = arith.constant 4 : i32
            %shift_right_arithmetic3A_387 = arith.shrsi %get3A_39, %shift_right_arithmetic3A_386 : i32
            %mul3A_388 = arith.constant 16 : i32
            %mul3A_389 = arith.muli %shift_right_arithmetic3A_387, %mul3A_388 : i32
            %get3A_390 = arith.index_cast %mul3A_389 : i32 to index
            %get3A_391 = tpu.vector_load %arg10[%get3A_390] {strides = array<i32>} : memref<128xi32, #tpu.memory_space<vmem>>, vector<16xi32>,
            %get3A_392 = vector.shape_cast %get3A_391 : vector<16xi32> to vector<16xi32>
            %and3A_393 = arith.constant 15 : i32
            %and3A_394 = arith.andi %get3A_39, %and3A_393 : i32
            %eq3A_395 = vector.broadcast %and3A_394 : i32 to vector<16xi32>
            %eq3A_396 = arith.cmpi eq, %iota3A, %eq3A_395 : vector<16xi32>
            %broadcast_in_dim3A_397 = vector.broadcast %shift_right_logical3A_303 : i32 to vector<16xi32>
            %select_n3A_398 = arith.select %eq3A_396, %broadcast_in_dim3A_397, %get3A_392 : vector<16xi1>, vector<16xi32>
            %swap3A_399 = arith.index_cast %mul3A_389 : i32 to index
            %swap3A_400 = tpu.vector_load %arg10[%swap3A_399] {strides = array<i32>} : memref<128xi32, #tpu.memory_space<vmem>>, vector<16xi32>,
            %swap3A_401 = vector.shape_cast %swap3A_400 : vector<16xi32> to vector<16xi32>
            %swap3A_402 = vector.shape_cast %select_n3A_398 : vector<16xi32> to vector<16xi32>
            tpu.vector_store %arg10[%swap3A_399], %swap3A_402 {strides = array<i32>} : memref<128xi32, #tpu.memory_space<vmem>>, vector<16xi32>,
            %shift_right_arithmetic3A_403 = arith.constant 4 : i32
            %shift_right_arithmetic3A_404 = arith.shrsi %get3A_39, %shift_right_arithmetic3A_403 : i32
            %mul3A_405 = arith.constant 16 : i32
            %mul3A_406 = arith.muli %shift_right_arithmetic3A_404, %mul3A_405 : i32
            %get3A_407 = arith.index_cast %mul3A_406 : i32 to index
            %get3A_408 = tpu.vector_load %arg11[%get3A_407] {strides = array<i32>} : memref<128xi32, #tpu.memory_space<vmem>>, vector<16xi32>,
            %get3A_409 = vector.shape_cast %get3A_408 : vector<16xi32> to vector<16xi32>
            %and3A_410 = arith.constant 15 : i32
            %and3A_411 = arith.andi %get3A_39, %and3A_410 : i32
            %eq3A_412 = vector.broadcast %and3A_411 : i32 to vector<16xi32>
            %eq3A_413 = arith.cmpi eq, %iota3A, %eq3A_412 : vector<16xi32>
            %broadcast_in_dim3A_414 = vector.broadcast %and3A_305 : i32 to vector<16xi32>
            %select_n3A_415 = arith.select %eq3A_413, %broadcast_in_dim3A_414, %get3A_409 : vector<16xi1>, vector<16xi32>
            %swap3A_416 = arith.index_cast %mul3A_406 : i32 to index
            %swap3A_417 = tpu.vector_load %arg11[%swap3A_416] {strides = array<i32>} : memref<128xi32, #tpu.memory_space<vmem>>, vector<16xi32>,
            %swap3A_418 = vector.shape_cast %swap3A_417 : vector<16xi32> to vector<16xi32>
            %swap3A_419 = vector.shape_cast %select_n3A_415 : vector<16xi32> to vector<16xi32>
            tpu.vector_store %arg11[%swap3A_416], %swap3A_419 {strides = array<i32>} : memref<128xi32, #tpu.memory_space<vmem>>, vector<16xi32>,
            %shift_right_arithmetic3A_420 = arith.constant 4 : i32
            %shift_right_arithmetic3A_421 = arith.shrsi %shift_right_logical3A_303, %shift_right_arithmetic3A_420 : i32
            %mul3A_422 = arith.constant 16 : i32
            %mul3A_423 = arith.muli %shift_right_arithmetic3A_421, %mul3A_422 : i32
            %get3A_424 = arith.index_cast %mul3A_423 : i32 to index
            %get3A_425 = tpu.vector_load %arg12[%get3A_424] {strides = array<i32>} : memref<1008xi32, #tpu.memory_space<vmem>>, vector<16xi32>,
            %get3A_426 = vector.shape_cast %get3A_425 : vector<16xi32> to vector<16xi32>
            %and3A_427 = arith.constant 15 : i32
            %and3A_428 = arith.andi %shift_right_logical3A_303, %and3A_427 : i32
            %eq3A_429 = vector.broadcast %and3A_428 : i32 to vector<16xi32>
            %eq3A_430 = arith.cmpi eq, %iota3A, %eq3A_429 : vector<16xi32>
            %jit3A_431 = arith.constant 1 : i32
            %broadcast_in_dim3A_432 = vector.broadcast %jit3A_431 : i32 to vector<16xi32>
            %select_n3A_433 = arith.select %eq3A_430, %broadcast_in_dim3A_432, %get3A_426 : vector<16xi1>, vector<16xi32>
            %swap3A_434 = arith.index_cast %mul3A_423 : i32 to index
            %swap3A_435 = tpu.vector_load %arg12[%swap3A_434] {strides = array<i32>} : memref<1008xi32, #tpu.memory_space<vmem>>, vector<16xi32>,
            %swap3A_436 = vector.shape_cast %swap3A_435 : vector<16xi32> to vector<16xi32>
            %swap3A_437 = vector.shape_cast %select_n3A_433 : vector<16xi32> to vector<16xi32>
            tpu.vector_store %arg12[%swap3A_434], %swap3A_437 {strides = array<i32>} : memref<1008xi32, #tpu.memory_space<vmem>>, vector<16xi32>,
            %shift_right_arithmetic3A_438 = arith.constant 4 : i32
            %shift_right_arithmetic3A_439 = arith.shrsi %and3A_305, %shift_right_arithmetic3A_438 : i32
            %mul3A_440 = arith.constant 16 : i32
            %mul3A_441 = arith.muli %shift_right_arithmetic3A_439, %mul3A_440 : i32
            %get3A_442 = arith.index_cast %mul3A_441 : i32 to index
            %get3A_443 = tpu.vector_load %arg8[%get3A_442] {strides = array<i32>} : memref<128xf32, #tpu.memory_space<vmem>>, vector<16xf32>,
            %get3A_444 = vector.shape_cast %get3A_443 : vector<16xf32> to vector<16xf32>
            %and3A_445 = arith.constant 15 : i32
            %and3A_446 = arith.andi %and3A_305, %and3A_445 : i32
            %eq3A_447 = vector.broadcast %and3A_446 : i32 to vector<16xi32>
            %eq3A_448 = arith.cmpi eq, %iota3A, %eq3A_447 : vector<16xi32>
            %jit3A_449 = arith.constant 0xFF800000 : f32
            %broadcast_in_dim3A_450 = vector.broadcast %jit3A_449 : f32 to vector<16xf32>
            %select_n3A_451 = arith.select %eq3A_448, %broadcast_in_dim3A_450, %get3A_444 : vector<16xi1>, vector<16xf32>
            %swap3A_452 = arith.index_cast %mul3A_441 : i32 to index
            %swap3A_453 = tpu.vector_load %arg8[%swap3A_452] {strides = array<i32>} : memref<128xf32, #tpu.memory_space<vmem>>, vector<16xf32>,
            %swap3A_454 = vector.shape_cast %swap3A_453 : vector<16xf32> to vector<16xf32>
            %swap3A_455 = vector.shape_cast %select_n3A_451 : vector<16xf32> to vector<16xf32>
            tpu.vector_store %arg8[%swap3A_452], %swap3A_455 {strides = array<i32>} : memref<128xf32, #tpu.memory_space<vmem>>, vector<16xf32>,
            %add3A_456 = arith.constant 1 : i32
            %add3A_457 = arith.addi %get3A_39, %add3A_456 : i32
            %swap3A_458 = arith.constant 0 : i32
            %swap3A_459 = arith.index_cast %swap3A_458 : i32 to index
            %swap3A_460 = memref.load %arg13[%swap3A_459] : memref<1xi32, #tpu.memory_space<smem>>
            memref.store %add3A_457, %arg13[%swap3A_459] : memref<1xi32, #tpu.memory_space<smem>>
          } else {
          }
          %ne3A = arith.constant 0 : i32
          %ne3A_382 = arith.cmpi ne, %squeeze3A_376, %ne3A : i32
          %convert_element_type3A_383 = arith.extui %ne3A_382 : i1 to i32
          %cond3A_384 = arith.constant 0 : i32
          %cond3A_385 = arith.cmpi ne, %convert_element_type3A_383, %cond3A_384 : i32
          scf.if %cond3A_385 {
            %scan3A_386 = arith.constant 0 : i32
            %scan3A_387 = arith.constant 63 : i32
            %scan3A_388 = arith.addi %scan3A_386, %scan3A_387 : i32
            %scan3A_389 = arith.constant 1 : i32
            %scan3A_390 = scf.for %scan3A_548 = %scan3A_386 to %scan3A_388 step %scan3A_389 iter_args(%scan3A_549 = %broadcast_in_dim3A_6) -> (vector<16xf32>)  : i32 {
              %mul3A_550 = arith.constant 16 : i32
              %mul3A_551 = arith.muli %scan3A_548, %mul3A_550 : i32
              %get3A_552 = arith.index_cast %and3A_305 : i32 to index
              %get3A_553 = arith.index_cast %mul3A_551 : i32 to index
              %get3A_554 = tpu.vector_load %arg7[%get3A_552, %get3A_553] {strides = array<i32>} : memref<112x1008xf32, #tpu.memory_space<vmem>>, vector<1x16xf32>,
              %get3A_555 = vector.shape_cast %get3A_554 : vector<1x16xf32> to vector<16xf32>
              %mul3A_556 = arith.constant 16 : i32
              %mul3A_557 = arith.muli %scan3A_548, %mul3A_556 : i32
              %get3A_558 = arith.index_cast %mul3A_557 : i32 to index
              %get3A_559 = tpu.vector_load %arg12[%get3A_558] {strides = array<i32>} : memref<1008xi32, #tpu.memory_space<vmem>>, vector<16xi32>,
              %get3A_560 = vector.shape_cast %get3A_559 : vector<16xi32> to vector<16xi32>
              %eq3A_561 = arith.constant 0 : i32
              %eq3A_562 = vector.broadcast %eq3A_561 : i32 to vector<16xi32>
              %eq3A_563 = arith.cmpi eq, %get3A_560, %eq3A_562 : vector<16xi32>
              %jit3A_564 = arith.constant 0xFF800000 : f32
              %broadcast_in_dim3A_565 = vector.broadcast %jit3A_564 : f32 to vector<16xf32>
              %select_n3A_566 = arith.select %eq3A_563, %get3A_555, %broadcast_in_dim3A_565 : vector<16xi1>, vector<16xf32>
              %max3A_567 = arith.maximumf %scan3A_549, %select_n3A_566 : vector<16xf32>
              scf.yield %max3A_567 : vector<16xf32>
            }
            %scan3A_391 = arith.constant 63 : i32
            %xor3A_392 = arith.constant 1 : i32
            %xor3A_393 = vector.broadcast %xor3A_392 : i32 to vector<16xi32>
            %xor3A_394 = arith.xori %iota3A, %xor3A_393 : vector<16xi32>
            %lt3A_395 = arith.constant 0 : i32
            %lt3A_396 = vector.broadcast %lt3A_395 : i32 to vector<16xi32>
            %lt3A_397 = arith.cmpi slt, %xor3A_394, %lt3A_396 : vector<16xi32>
            %add3A_398 = arith.constant 16 : i32
            %add3A_399 = vector.broadcast %add3A_398 : i32 to vector<16xi32>
            %add3A_400 = arith.addi %xor3A_394, %add3A_399 : vector<16xi32>
            %select_n3A_401 = arith.select %lt3A_397, %add3A_400, %xor3A_394 : vector<16xi1>, vector<16xi32>
            %broadcast_in_dim3A_402 = vector.shape_cast %select_n3A_401 : vector<16xi32> to vector<16x1xi32>
            %gather3A_403 = vector.shape_cast %broadcast_in_dim3A_402 : vector<16x1xi32> to vector<16xi32>
            %gather3A_404 = tpu.dynamic_gather %scan3A_390[%gather3A_403] in [0] : vector<16xf32>, vector<16xi32> -> vector<16xf32>
            %max3A_405 = arith.maximumf %scan3A_390, %gather3A_404 : vector<16xf32>
            %xor3A_406 = arith.constant 2 : i32
            %xor3A_407 = vector.broadcast %xor3A_406 : i32 to vector<16xi32>
            %xor3A_408 = arith.xori %iota3A, %xor3A_407 : vector<16xi32>
            %lt3A_409 = arith.constant 0 : i32
            %lt3A_410 = vector.broadcast %lt3A_409 : i32 to vector<16xi32>
            %lt3A_411 = arith.cmpi slt, %xor3A_408, %lt3A_410 : vector<16xi32>
            %add3A_412 = arith.constant 16 : i32
            %add3A_413 = vector.broadcast %add3A_412 : i32 to vector<16xi32>
            %add3A_414 = arith.addi %xor3A_408, %add3A_413 : vector<16xi32>
            %select_n3A_415 = arith.select %lt3A_411, %add3A_414, %xor3A_408 : vector<16xi1>, vector<16xi32>
            %broadcast_in_dim3A_416 = vector.shape_cast %select_n3A_415 : vector<16xi32> to vector<16x1xi32>
            %gather3A_417 = vector.shape_cast %broadcast_in_dim3A_416 : vector<16x1xi32> to vector<16xi32>
            %gather3A_418 = tpu.dynamic_gather %max3A_405[%gather3A_417] in [0] : vector<16xf32>, vector<16xi32> -> vector<16xf32>
            %max3A_419 = arith.maximumf %max3A_405, %gather3A_418 : vector<16xf32>
            %xor3A_420 = arith.constant 4 : i32
            %xor3A_421 = vector.broadcast %xor3A_420 : i32 to vector<16xi32>
            %xor3A_422 = arith.xori %iota3A, %xor3A_421 : vector<16xi32>
            %lt3A_423 = arith.constant 0 : i32
            %lt3A_424 = vector.broadcast %lt3A_423 : i32 to vector<16xi32>
            %lt3A_425 = arith.cmpi slt, %xor3A_422, %lt3A_424 : vector<16xi32>
            %add3A_426 = arith.constant 16 : i32
            %add3A_427 = vector.broadcast %add3A_426 : i32 to vector<16xi32>
            %add3A_428 = arith.addi %xor3A_422, %add3A_427 : vector<16xi32>
            %select_n3A_429 = arith.select %lt3A_425, %add3A_428, %xor3A_422 : vector<16xi1>, vector<16xi32>
            %broadcast_in_dim3A_430 = vector.shape_cast %select_n3A_429 : vector<16xi32> to vector<16x1xi32>
            %gather3A_431 = vector.shape_cast %broadcast_in_dim3A_430 : vector<16x1xi32> to vector<16xi32>
            %gather3A_432 = tpu.dynamic_gather %max3A_419[%gather3A_431] in [0] : vector<16xf32>, vector<16xi32> -> vector<16xf32>
            %max3A_433 = arith.maximumf %max3A_419, %gather3A_432 : vector<16xf32>
            %xor3A_434 = arith.constant 8 : i32
            %xor3A_435 = vector.broadcast %xor3A_434 : i32 to vector<16xi32>
            %xor3A_436 = arith.xori %iota3A, %xor3A_435 : vector<16xi32>
            %lt3A_437 = arith.constant 0 : i32
            %lt3A_438 = vector.broadcast %lt3A_437 : i32 to vector<16xi32>
            %lt3A_439 = arith.cmpi slt, %xor3A_436, %lt3A_438 : vector<16xi32>
            %add3A_440 = arith.constant 16 : i32
            %add3A_441 = vector.broadcast %add3A_440 : i32 to vector<16xi32>
            %add3A_442 = arith.addi %xor3A_436, %add3A_441 : vector<16xi32>
            %select_n3A_443 = arith.select %lt3A_439, %add3A_442, %xor3A_436 : vector<16xi1>, vector<16xi32>
            %broadcast_in_dim3A_444 = vector.shape_cast %select_n3A_443 : vector<16xi32> to vector<16x1xi32>
            %gather3A_445 = vector.shape_cast %broadcast_in_dim3A_444 : vector<16x1xi32> to vector<16xi32>
            %gather3A_446 = tpu.dynamic_gather %max3A_433[%gather3A_445] in [0] : vector<16xf32>, vector<16xi32> -> vector<16xf32>
            %max3A_447 = arith.maximumf %max3A_433, %gather3A_446 : vector<16xf32>
            %scan3A_448 = arith.constant 0 : i32
            %scan3A_449 = arith.constant 63 : i32
            %scan3A_450 = arith.addi %scan3A_448, %scan3A_449 : i32
            %scan3A_451 = arith.constant 1 : i32
            %scan3A_452 = scf.for %scan3A_548 = %scan3A_448 to %scan3A_450 step %scan3A_451 iter_args(%scan3A_549 = %broadcast_in_dim3A_8) -> (vector<16xi32>)  : i32 {
              %mul3A_550 = arith.constant 16 : i32
              %mul3A_551 = arith.muli %scan3A_548, %mul3A_550 : i32
              %get3A_552 = arith.index_cast %and3A_305 : i32 to index
              %get3A_553 = arith.index_cast %mul3A_551 : i32 to index
              %get3A_554 = tpu.vector_load %arg7[%get3A_552, %get3A_553] {strides = array<i32>} : memref<112x1008xf32, #tpu.memory_space<vmem>>, vector<1x16xf32>,
              %get3A_555 = vector.shape_cast %get3A_554 : vector<1x16xf32> to vector<16xf32>
              %mul3A_556 = arith.constant 16 : i32
              %mul3A_557 = arith.muli %scan3A_548, %mul3A_556 : i32
              %get3A_558 = arith.index_cast %mul3A_557 : i32 to index
              %get3A_559 = tpu.vector_load %arg12[%get3A_558] {strides = array<i32>} : memref<1008xi32, #tpu.memory_space<vmem>>, vector<16xi32>,
              %get3A_560 = vector.shape_cast %get3A_559 : vector<16xi32> to vector<16xi32>
              %eq3A_561 = arith.constant 0 : i32
              %eq3A_562 = vector.broadcast %eq3A_561 : i32 to vector<16xi32>
              %eq3A_563 = arith.cmpi eq, %get3A_560, %eq3A_562 : vector<16xi32>
              %eq3A_564 = arith.cmpf oeq, %get3A_555, %max3A_447 : vector<16xf32>
              %and3A_565 = arith.andi %eq3A_563, %eq3A_564 : vector<16xi1>
              %mul3A_566 = arith.constant 16 : i32
              %mul3A_567 = arith.muli %scan3A_548, %mul3A_566 : i32
              %add3A_568 = vector.broadcast %mul3A_567 : i32 to vector<16xi32>
              %add3A_569 = arith.addi %iota3A, %add3A_568 : vector<16xi32>
              %jit3A_570 = arith.constant 268435456 : i32
              %broadcast_in_dim3A_571 = vector.broadcast %jit3A_570 : i32 to vector<16xi32>
              %select_n3A_572 = arith.select %and3A_565, %add3A_569, %broadcast_in_dim3A_571 : vector<16xi1>, vector<16xi32>
              %min3A_573 = arith.minsi %scan3A_549, %select_n3A_572 : vector<16xi32>
              scf.yield %min3A_573 : vector<16xi32>
            }
            %scan3A_453 = arith.constant 63 : i32
            %xor3A_454 = arith.constant 1 : i32
            %xor3A_455 = vector.broadcast %xor3A_454 : i32 to vector<16xi32>
            %xor3A_456 = arith.xori %iota3A, %xor3A_455 : vector<16xi32>
            %lt3A_457 = arith.constant 0 : i32
            %lt3A_458 = vector.broadcast %lt3A_457 : i32 to vector<16xi32>
            %lt3A_459 = arith.cmpi slt, %xor3A_456, %lt3A_458 : vector<16xi32>
            %add3A_460 = arith.constant 16 : i32
            %add3A_461 = vector.broadcast %add3A_460 : i32 to vector<16xi32>
            %add3A_462 = arith.addi %xor3A_456, %add3A_461 : vector<16xi32>
            %select_n3A_463 = arith.select %lt3A_459, %add3A_462, %xor3A_456 : vector<16xi1>, vector<16xi32>
            %broadcast_in_dim3A_464 = vector.shape_cast %select_n3A_463 : vector<16xi32> to vector<16x1xi32>
            %gather3A_465 = vector.shape_cast %broadcast_in_dim3A_464 : vector<16x1xi32> to vector<16xi32>
            %gather3A_466 = tpu.dynamic_gather %scan3A_452[%gather3A_465] in [0] : vector<16xi32>, vector<16xi32> -> vector<16xi32>
            %min3A_467 = arith.minsi %scan3A_452, %gather3A_466 : vector<16xi32>
            %xor3A_468 = arith.constant 2 : i32
            %xor3A_469 = vector.broadcast %xor3A_468 : i32 to vector<16xi32>
            %xor3A_470 = arith.xori %iota3A, %xor3A_469 : vector<16xi32>
            %lt3A_471 = arith.constant 0 : i32
            %lt3A_472 = vector.broadcast %lt3A_471 : i32 to vector<16xi32>
            %lt3A_473 = arith.cmpi slt, %xor3A_470, %lt3A_472 : vector<16xi32>
            %add3A_474 = arith.constant 16 : i32
            %add3A_475 = vector.broadcast %add3A_474 : i32 to vector<16xi32>
            %add3A_476 = arith.addi %xor3A_470, %add3A_475 : vector<16xi32>
            %select_n3A_477 = arith.select %lt3A_473, %add3A_476, %xor3A_470 : vector<16xi1>, vector<16xi32>
            %broadcast_in_dim3A_478 = vector.shape_cast %select_n3A_477 : vector<16xi32> to vector<16x1xi32>
            %gather3A_479 = vector.shape_cast %broadcast_in_dim3A_478 : vector<16x1xi32> to vector<16xi32>
            %gather3A_480 = tpu.dynamic_gather %min3A_467[%gather3A_479] in [0] : vector<16xi32>, vector<16xi32> -> vector<16xi32>
            %min3A_481 = arith.minsi %min3A_467, %gather3A_480 : vector<16xi32>
            %xor3A_482 = arith.constant 4 : i32
            %xor3A_483 = vector.broadcast %xor3A_482 : i32 to vector<16xi32>
            %xor3A_484 = arith.xori %iota3A, %xor3A_483 : vector<16xi32>
            %lt3A_485 = arith.constant 0 : i32
            %lt3A_486 = vector.broadcast %lt3A_485 : i32 to vector<16xi32>
            %lt3A_487 = arith.cmpi slt, %xor3A_484, %lt3A_486 : vector<16xi32>
            %add3A_488 = arith.constant 16 : i32
            %add3A_489 = vector.broadcast %add3A_488 : i32 to vector<16xi32>
            %add3A_490 = arith.addi %xor3A_484, %add3A_489 : vector<16xi32>
            %select_n3A_491 = arith.select %lt3A_487, %add3A_490, %xor3A_484 : vector<16xi1>, vector<16xi32>
            %broadcast_in_dim3A_492 = vector.shape_cast %select_n3A_491 : vector<16xi32> to vector<16x1xi32>
            %gather3A_493 = vector.shape_cast %broadcast_in_dim3A_492 : vector<16x1xi32> to vector<16xi32>
            %gather3A_494 = tpu.dynamic_gather %min3A_481[%gather3A_493] in [0] : vector<16xi32>, vector<16xi32> -> vector<16xi32>
            %min3A_495 = arith.minsi %min3A_481, %gather3A_494 : vector<16xi32>
            %xor3A_496 = arith.constant 8 : i32
            %xor3A_497 = vector.broadcast %xor3A_496 : i32 to vector<16xi32>
            %xor3A_498 = arith.xori %iota3A, %xor3A_497 : vector<16xi32>
            %lt3A_499 = arith.constant 0 : i32
            %lt3A_500 = vector.broadcast %lt3A_499 : i32 to vector<16xi32>
            %lt3A_501 = arith.cmpi slt, %xor3A_498, %lt3A_500 : vector<16xi32>
            %add3A_502 = arith.constant 16 : i32
            %add3A_503 = vector.broadcast %add3A_502 : i32 to vector<16xi32>
            %add3A_504 = arith.addi %xor3A_498, %add3A_503 : vector<16xi32>
            %select_n3A_505 = arith.select %lt3A_501, %add3A_504, %xor3A_498 : vector<16xi1>, vector<16xi32>
            %broadcast_in_dim3A_506 = vector.shape_cast %select_n3A_505 : vector<16xi32> to vector<16x1xi32>
            %gather3A_507 = vector.shape_cast %broadcast_in_dim3A_506 : vector<16x1xi32> to vector<16xi32>
            %gather3A_508 = tpu.dynamic_gather %min3A_495[%gather3A_507] in [0] : vector<16xi32>, vector<16xi32> -> vector<16xi32>
            %min3A_509 = arith.minsi %min3A_495, %gather3A_508 : vector<16xi32>
            %slice3A_510 = vector.extract_strided_slice %max3A_447 {offsets = [0], sizes = [1], strides = [1]} : vector<16xf32> to vector<1xf32>
            %squeeze3A_511 = vector.extract %slice3A_510[0] : f32 from vector<1xf32>
            %slice3A_512 = vector.extract_strided_slice %min3A_509 {offsets = [0], sizes = [1], strides = [1]} : vector<16xi32> to vector<1xi32>
            %squeeze3A_513 = vector.extract %slice3A_512[0] : i32 from vector<1xi32>
            %shift_right_arithmetic3A_514 = arith.constant 4 : i32
            %shift_right_arithmetic3A_515 = arith.shrsi %and3A_305, %shift_right_arithmetic3A_514 : i32
            %mul3A_516 = arith.constant 16 : i32
            %mul3A_517 = arith.muli %shift_right_arithmetic3A_515, %mul3A_516 : i32
            %get3A_518 = arith.index_cast %mul3A_517 : i32 to index
            %get3A_519 = tpu.vector_load %arg8[%get3A_518] {strides = array<i32>} : memref<128xf32, #tpu.memory_space<vmem>>, vector<16xf32>,
            %get3A_520 = vector.shape_cast %get3A_519 : vector<16xf32> to vector<16xf32>
            %and3A_521 = arith.constant 15 : i32
            %and3A_522 = arith.andi %and3A_305, %and3A_521 : i32
            %eq3A_523 = vector.broadcast %and3A_522 : i32 to vector<16xi32>
            %eq3A_524 = arith.cmpi eq, %iota3A, %eq3A_523 : vector<16xi32>
            %broadcast_in_dim3A_525 = vector.broadcast %squeeze3A_511 : f32 to vector<16xf32>
            %select_n3A_526 = arith.select %eq3A_524, %broadcast_in_dim3A_525, %get3A_520 : vector<16xi1>, vector<16xf32>
            %swap3A_527 = arith.index_cast %mul3A_517 : i32 to index
            %swap3A_528 = tpu.vector_load %arg8[%swap3A_527] {strides = array<i32>} : memref<128xf32, #tpu.memory_space<vmem>>, vector<16xf32>,
            %swap3A_529 = vector.shape_cast %swap3A_528 : vector<16xf32> to vector<16xf32>
            %swap3A_530 = vector.shape_cast %select_n3A_526 : vector<16xf32> to vector<16xf32>
            tpu.vector_store %arg8[%swap3A_527], %swap3A_530 {strides = array<i32>} : memref<128xf32, #tpu.memory_space<vmem>>, vector<16xf32>,
            %shift_right_arithmetic3A_531 = arith.constant 4 : i32
            %shift_right_arithmetic3A_532 = arith.shrsi %and3A_305, %shift_right_arithmetic3A_531 : i32
            %mul3A_533 = arith.constant 16 : i32
            %mul3A_534 = arith.muli %shift_right_arithmetic3A_532, %mul3A_533 : i32
            %get3A_535 = arith.index_cast %mul3A_534 : i32 to index
            %get3A_536 = tpu.vector_load %arg9[%get3A_535] {strides = array<i32>} : memref<128xi32, #tpu.memory_space<vmem>>, vector<16xi32>,
            %get3A_537 = vector.shape_cast %get3A_536 : vector<16xi32> to vector<16xi32>
            %and3A_538 = arith.constant 15 : i32
            %and3A_539 = arith.andi %and3A_305, %and3A_538 : i32
            %eq3A_540 = vector.broadcast %and3A_539 : i32 to vector<16xi32>
            %eq3A_541 = arith.cmpi eq, %iota3A, %eq3A_540 : vector<16xi32>
            %broadcast_in_dim3A_542 = vector.broadcast %squeeze3A_513 : i32 to vector<16xi32>
            %select_n3A_543 = arith.select %eq3A_541, %broadcast_in_dim3A_542, %get3A_537 : vector<16xi1>, vector<16xi32>
            %swap3A_544 = arith.index_cast %mul3A_534 : i32 to index
            %swap3A_545 = tpu.vector_load %arg9[%swap3A_544] {strides = array<i32>} : memref<128xi32, #tpu.memory_space<vmem>>, vector<16xi32>,
            %swap3A_546 = vector.shape_cast %swap3A_545 : vector<16xi32> to vector<16xi32>
            %swap3A_547 = vector.shape_cast %select_n3A_543 : vector<16xi32> to vector<16xi32>
            tpu.vector_store %arg9[%swap3A_544], %swap3A_547 {strides = array<i32>} : memref<128xi32, #tpu.memory_space<vmem>>, vector<16xi32>,
          } else {
          }
        } else {
        }
      }
      %scan3A_28 = arith.constant 288 : i32
      %scan3A_29 = arith.constant 0 : i32
      %scan3A_30 = arith.constant 0 : i32
      %scan3A_31 = arith.constant 100 : i32
      %scan3A_32 = arith.addi %scan3A_30, %scan3A_31 : i32
      %scan3A_33 = arith.constant 1 : i32
      scf.for %scan3A_37 = %scan3A_30 to %scan3A_32 step %scan3A_33  : i32 {
        %get3A = arith.constant 0 : i32
        %get3A_38 = arith.index_cast %get3A : i32 to index
        %get3A_39 = memref.load %arg13[%get3A_38] : memref<1xi32, #tpu.memory_space<smem>>
        %lt3A_40 = arith.constant 100 : i32
        %lt3A_41 = arith.cmpi slt, %get3A_39, %lt3A_40 : i32
        %convert_element_type3A_42 = arith.extui %lt3A_41 : i1 to i32
        %cond3A_43 = arith.constant 0 : i32
        %cond3A_44 = arith.cmpi ne, %convert_element_type3A_42, %cond3A_43 : i32
        scf.if %cond3A_44 {
          %scan3A_45 = arith.constant 0xFF800000 : f32
          %scan3A_46 = arith.constant 268435456 : i32
          %scan3A_47 = arith.constant 0 : i32
          %scan3A_48 = arith.constant 112 : i32
          %scan3A_49 = arith.addi %scan3A_47, %scan3A_48 : i32
          %scan3A_50 = arith.constant 1 : i32
          %scan3A_51:2 = scf.for %scan3A_126 = %scan3A_47 to %scan3A_49 step %scan3A_50 iter_args(%scan3A_127 = %scan3A_45, %scan3A_128 = %scan3A_46) -> (f32, i32)  : i32 {
            %scan3A_129 = arith.constant 0 : i32
            %scan3A_130 = arith.constant 63 : i32
            %scan3A_131 = arith.addi %scan3A_129, %scan3A_130 : i32
            %scan3A_132 = arith.constant 1 : i32
            %scan3A_133 = scf.for %scan3A_334 = %scan3A_129 to %scan3A_131 step %scan3A_132 iter_args(%scan3A_335 = %broadcast_in_dim3A_6) -> (vector<16xf32>)  : i32 {
              %mul3A_336 = arith.constant 16 : i32
              %mul3A_337 = arith.muli %scan3A_334, %mul3A_336 : i32
              %get3A_338 = arith.index_cast %scan3A_126 : i32 to index
              %get3A_339 = arith.index_cast %mul3A_337 : i32 to index
              %get3A_340 = tpu.vector_load %arg7[%get3A_338, %get3A_339] {strides = array<i32>} : memref<112x1008xf32, #tpu.memory_space<vmem>>, vector<1x16xf32>,
              %get3A_341 = vector.shape_cast %get3A_340 : vector<1x16xf32> to vector<16xf32>
              %mul3A_342 = arith.constant 16 : i32
              %mul3A_343 = arith.muli %scan3A_334, %mul3A_342 : i32
              %get3A_344 = arith.index_cast %mul3A_343 : i32 to index
              %get3A_345 = tpu.vector_load %arg12[%get3A_344] {strides = array<i32>} : memref<1008xi32, #tpu.memory_space<vmem>>, vector<16xi32>,
              %get3A_346 = vector.shape_cast %get3A_345 : vector<16xi32> to vector<16xi32>
              %eq3A_347 = arith.constant 0 : i32
              %eq3A_348 = vector.broadcast %eq3A_347 : i32 to vector<16xi32>
              %eq3A_349 = arith.cmpi eq, %get3A_346, %eq3A_348 : vector<16xi32>
              %jit3A_350 = arith.constant 0xFF800000 : f32
              %broadcast_in_dim3A_351 = vector.broadcast %jit3A_350 : f32 to vector<16xf32>
              %select_n3A_352 = arith.select %eq3A_349, %get3A_341, %broadcast_in_dim3A_351 : vector<16xi1>, vector<16xf32>
              %max3A_353 = arith.maximumf %scan3A_335, %select_n3A_352 : vector<16xf32>
              scf.yield %max3A_353 : vector<16xf32>
            }
            %scan3A_134 = arith.constant 63 : i32
            %xor3A = arith.constant 1 : i32
            %xor3A_135 = vector.broadcast %xor3A : i32 to vector<16xi32>
            %xor3A_136 = arith.xori %iota3A, %xor3A_135 : vector<16xi32>
            %lt3A_137 = arith.constant 0 : i32
            %lt3A_138 = vector.broadcast %lt3A_137 : i32 to vector<16xi32>
            %lt3A_139 = arith.cmpi slt, %xor3A_136, %lt3A_138 : vector<16xi32>
            %add3A_140 = arith.constant 16 : i32
            %add3A_141 = vector.broadcast %add3A_140 : i32 to vector<16xi32>
            %add3A_142 = arith.addi %xor3A_136, %add3A_141 : vector<16xi32>
            %select_n3A_143 = arith.select %lt3A_139, %add3A_142, %xor3A_136 : vector<16xi1>, vector<16xi32>
            %broadcast_in_dim3A_144 = vector.shape_cast %select_n3A_143 : vector<16xi32> to vector<16x1xi32>
            %gather3A = vector.shape_cast %broadcast_in_dim3A_144 : vector<16x1xi32> to vector<16xi32>
            %gather3A_145 = tpu.dynamic_gather %scan3A_133[%gather3A] in [0] : vector<16xf32>, vector<16xi32> -> vector<16xf32>
            %max3A = arith.maximumf %scan3A_133, %gather3A_145 : vector<16xf32>
            %xor3A_146 = arith.constant 2 : i32
            %xor3A_147 = vector.broadcast %xor3A_146 : i32 to vector<16xi32>
            %xor3A_148 = arith.xori %iota3A, %xor3A_147 : vector<16xi32>
            %lt3A_149 = arith.constant 0 : i32
            %lt3A_150 = vector.broadcast %lt3A_149 : i32 to vector<16xi32>
            %lt3A_151 = arith.cmpi slt, %xor3A_148, %lt3A_150 : vector<16xi32>
            %add3A_152 = arith.constant 16 : i32
            %add3A_153 = vector.broadcast %add3A_152 : i32 to vector<16xi32>
            %add3A_154 = arith.addi %xor3A_148, %add3A_153 : vector<16xi32>
            %select_n3A_155 = arith.select %lt3A_151, %add3A_154, %xor3A_148 : vector<16xi1>, vector<16xi32>
            %broadcast_in_dim3A_156 = vector.shape_cast %select_n3A_155 : vector<16xi32> to vector<16x1xi32>
            %gather3A_157 = vector.shape_cast %broadcast_in_dim3A_156 : vector<16x1xi32> to vector<16xi32>
            %gather3A_158 = tpu.dynamic_gather %max3A[%gather3A_157] in [0] : vector<16xf32>, vector<16xi32> -> vector<16xf32>
            %max3A_159 = arith.maximumf %max3A, %gather3A_158 : vector<16xf32>
            %xor3A_160 = arith.constant 4 : i32
            %xor3A_161 = vector.broadcast %xor3A_160 : i32 to vector<16xi32>
            %xor3A_162 = arith.xori %iota3A, %xor3A_161 : vector<16xi32>
            %lt3A_163 = arith.constant 0 : i32
            %lt3A_164 = vector.broadcast %lt3A_163 : i32 to vector<16xi32>
            %lt3A_165 = arith.cmpi slt, %xor3A_162, %lt3A_164 : vector<16xi32>
            %add3A_166 = arith.constant 16 : i32
            %add3A_167 = vector.broadcast %add3A_166 : i32 to vector<16xi32>
            %add3A_168 = arith.addi %xor3A_162, %add3A_167 : vector<16xi32>
            %select_n3A_169 = arith.select %lt3A_165, %add3A_168, %xor3A_162 : vector<16xi1>, vector<16xi32>
            %broadcast_in_dim3A_170 = vector.shape_cast %select_n3A_169 : vector<16xi32> to vector<16x1xi32>
            %gather3A_171 = vector.shape_cast %broadcast_in_dim3A_170 : vector<16x1xi32> to vector<16xi32>
            %gather3A_172 = tpu.dynamic_gather %max3A_159[%gather3A_171] in [0] : vector<16xf32>, vector<16xi32> -> vector<16xf32>
            %max3A_173 = arith.maximumf %max3A_159, %gather3A_172 : vector<16xf32>
            %xor3A_174 = arith.constant 8 : i32
            %xor3A_175 = vector.broadcast %xor3A_174 : i32 to vector<16xi32>
            %xor3A_176 = arith.xori %iota3A, %xor3A_175 : vector<16xi32>
            %lt3A_177 = arith.constant 0 : i32
            %lt3A_178 = vector.broadcast %lt3A_177 : i32 to vector<16xi32>
            %lt3A_179 = arith.cmpi slt, %xor3A_176, %lt3A_178 : vector<16xi32>
            %add3A_180 = arith.constant 16 : i32
            %add3A_181 = vector.broadcast %add3A_180 : i32 to vector<16xi32>
            %add3A_182 = arith.addi %xor3A_176, %add3A_181 : vector<16xi32>
            %select_n3A_183 = arith.select %lt3A_179, %add3A_182, %xor3A_176 : vector<16xi1>, vector<16xi32>
            %broadcast_in_dim3A_184 = vector.shape_cast %select_n3A_183 : vector<16xi32> to vector<16x1xi32>
            %gather3A_185 = vector.shape_cast %broadcast_in_dim3A_184 : vector<16x1xi32> to vector<16xi32>
            %gather3A_186 = tpu.dynamic_gather %max3A_173[%gather3A_185] in [0] : vector<16xf32>, vector<16xi32> -> vector<16xf32>
            %max3A_187 = arith.maximumf %max3A_173, %gather3A_186 : vector<16xf32>
            %scan3A_188 = arith.constant 0 : i32
            %scan3A_189 = arith.constant 63 : i32
            %scan3A_190 = arith.addi %scan3A_188, %scan3A_189 : i32
            %scan3A_191 = arith.constant 1 : i32
            %scan3A_192 = scf.for %scan3A_334 = %scan3A_188 to %scan3A_190 step %scan3A_191 iter_args(%scan3A_335 = %broadcast_in_dim3A_8) -> (vector<16xi32>)  : i32 {
              %mul3A_336 = arith.constant 16 : i32
              %mul3A_337 = arith.muli %scan3A_334, %mul3A_336 : i32
              %get3A_338 = arith.index_cast %scan3A_126 : i32 to index
              %get3A_339 = arith.index_cast %mul3A_337 : i32 to index
              %get3A_340 = tpu.vector_load %arg7[%get3A_338, %get3A_339] {strides = array<i32>} : memref<112x1008xf32, #tpu.memory_space<vmem>>, vector<1x16xf32>,
              %get3A_341 = vector.shape_cast %get3A_340 : vector<1x16xf32> to vector<16xf32>
              %mul3A_342 = arith.constant 16 : i32
              %mul3A_343 = arith.muli %scan3A_334, %mul3A_342 : i32
              %get3A_344 = arith.index_cast %mul3A_343 : i32 to index
              %get3A_345 = tpu.vector_load %arg12[%get3A_344] {strides = array<i32>} : memref<1008xi32, #tpu.memory_space<vmem>>, vector<16xi32>,
              %get3A_346 = vector.shape_cast %get3A_345 : vector<16xi32> to vector<16xi32>
              %eq3A_347 = arith.constant 0 : i32
              %eq3A_348 = vector.broadcast %eq3A_347 : i32 to vector<16xi32>
              %eq3A_349 = arith.cmpi eq, %get3A_346, %eq3A_348 : vector<16xi32>
              %eq3A_350 = arith.cmpf oeq, %get3A_341, %max3A_187 : vector<16xf32>
              %and3A_351 = arith.andi %eq3A_349, %eq3A_350 : vector<16xi1>
              %mul3A_352 = arith.constant 16 : i32
              %mul3A_353 = arith.muli %scan3A_334, %mul3A_352 : i32
              %add3A_354 = vector.broadcast %mul3A_353 : i32 to vector<16xi32>
              %add3A_355 = arith.addi %iota3A, %add3A_354 : vector<16xi32>
              %jit3A_356 = arith.constant 268435456 : i32
              %broadcast_in_dim3A_357 = vector.broadcast %jit3A_356 : i32 to vector<16xi32>
              %select_n3A_358 = arith.select %and3A_351, %add3A_355, %broadcast_in_dim3A_357 : vector<16xi1>, vector<16xi32>
              %min3A_359 = arith.minsi %scan3A_335, %select_n3A_358 : vector<16xi32>
              scf.yield %min3A_359 : vector<16xi32>
            }
            %scan3A_193 = arith.constant 63 : i32
            %xor3A_194 = arith.constant 1 : i32
            %xor3A_195 = vector.broadcast %xor3A_194 : i32 to vector<16xi32>
            %xor3A_196 = arith.xori %iota3A, %xor3A_195 : vector<16xi32>
            %lt3A_197 = arith.constant 0 : i32
            %lt3A_198 = vector.broadcast %lt3A_197 : i32 to vector<16xi32>
            %lt3A_199 = arith.cmpi slt, %xor3A_196, %lt3A_198 : vector<16xi32>
            %add3A_200 = arith.constant 16 : i32
            %add3A_201 = vector.broadcast %add3A_200 : i32 to vector<16xi32>
            %add3A_202 = arith.addi %xor3A_196, %add3A_201 : vector<16xi32>
            %select_n3A_203 = arith.select %lt3A_199, %add3A_202, %xor3A_196 : vector<16xi1>, vector<16xi32>
            %broadcast_in_dim3A_204 = vector.shape_cast %select_n3A_203 : vector<16xi32> to vector<16x1xi32>
            %gather3A_205 = vector.shape_cast %broadcast_in_dim3A_204 : vector<16x1xi32> to vector<16xi32>
            %gather3A_206 = tpu.dynamic_gather %scan3A_192[%gather3A_205] in [0] : vector<16xi32>, vector<16xi32> -> vector<16xi32>
            %min3A = arith.minsi %scan3A_192, %gather3A_206 : vector<16xi32>
            %xor3A_207 = arith.constant 2 : i32
            %xor3A_208 = vector.broadcast %xor3A_207 : i32 to vector<16xi32>
            %xor3A_209 = arith.xori %iota3A, %xor3A_208 : vector<16xi32>
            %lt3A_210 = arith.constant 0 : i32
            %lt3A_211 = vector.broadcast %lt3A_210 : i32 to vector<16xi32>
            %lt3A_212 = arith.cmpi slt, %xor3A_209, %lt3A_211 : vector<16xi32>
            %add3A_213 = arith.constant 16 : i32
            %add3A_214 = vector.broadcast %add3A_213 : i32 to vector<16xi32>
            %add3A_215 = arith.addi %xor3A_209, %add3A_214 : vector<16xi32>
            %select_n3A_216 = arith.select %lt3A_212, %add3A_215, %xor3A_209 : vector<16xi1>, vector<16xi32>
            %broadcast_in_dim3A_217 = vector.shape_cast %select_n3A_216 : vector<16xi32> to vector<16x1xi32>
            %gather3A_218 = vector.shape_cast %broadcast_in_dim3A_217 : vector<16x1xi32> to vector<16xi32>
            %gather3A_219 = tpu.dynamic_gather %min3A[%gather3A_218] in [0] : vector<16xi32>, vector<16xi32> -> vector<16xi32>
            %min3A_220 = arith.minsi %min3A, %gather3A_219 : vector<16xi32>
            %xor3A_221 = arith.constant 4 : i32
            %xor3A_222 = vector.broadcast %xor3A_221 : i32 to vector<16xi32>
            %xor3A_223 = arith.xori %iota3A, %xor3A_222 : vector<16xi32>
            %lt3A_224 = arith.constant 0 : i32
            %lt3A_225 = vector.broadcast %lt3A_224 : i32 to vector<16xi32>
            %lt3A_226 = arith.cmpi slt, %xor3A_223, %lt3A_225 : vector<16xi32>
            %add3A_227 = arith.constant 16 : i32
            %add3A_228 = vector.broadcast %add3A_227 : i32 to vector<16xi32>
            %add3A_229 = arith.addi %xor3A_223, %add3A_228 : vector<16xi32>
            %select_n3A_230 = arith.select %lt3A_226, %add3A_229, %xor3A_223 : vector<16xi1>, vector<16xi32>
            %broadcast_in_dim3A_231 = vector.shape_cast %select_n3A_230 : vector<16xi32> to vector<16x1xi32>
            %gather3A_232 = vector.shape_cast %broadcast_in_dim3A_231 : vector<16x1xi32> to vector<16xi32>
            %gather3A_233 = tpu.dynamic_gather %min3A_220[%gather3A_232] in [0] : vector<16xi32>, vector<16xi32> -> vector<16xi32>
            %min3A_234 = arith.minsi %min3A_220, %gather3A_233 : vector<16xi32>
            %xor3A_235 = arith.constant 8 : i32
            %xor3A_236 = vector.broadcast %xor3A_235 : i32 to vector<16xi32>
            %xor3A_237 = arith.xori %iota3A, %xor3A_236 : vector<16xi32>
            %lt3A_238 = arith.constant 0 : i32
            %lt3A_239 = vector.broadcast %lt3A_238 : i32 to vector<16xi32>
            %lt3A_240 = arith.cmpi slt, %xor3A_237, %lt3A_239 : vector<16xi32>
            %add3A_241 = arith.constant 16 : i32
            %add3A_242 = vector.broadcast %add3A_241 : i32 to vector<16xi32>
            %add3A_243 = arith.addi %xor3A_237, %add3A_242 : vector<16xi32>
            %select_n3A_244 = arith.select %lt3A_240, %add3A_243, %xor3A_237 : vector<16xi1>, vector<16xi32>
            %broadcast_in_dim3A_245 = vector.shape_cast %select_n3A_244 : vector<16xi32> to vector<16x1xi32>
            %gather3A_246 = vector.shape_cast %broadcast_in_dim3A_245 : vector<16x1xi32> to vector<16xi32>
            %gather3A_247 = tpu.dynamic_gather %min3A_234[%gather3A_246] in [0] : vector<16xi32>, vector<16xi32> -> vector<16xi32>
            %min3A_248 = arith.minsi %min3A_234, %gather3A_247 : vector<16xi32>
            %slice3A = vector.extract_strided_slice %max3A_187 {offsets = [0], sizes = [1], strides = [1]} : vector<16xf32> to vector<1xf32>
            %squeeze3A = vector.extract %slice3A[0] : f32 from vector<1xf32>
            %slice3A_249 = vector.extract_strided_slice %min3A_248 {offsets = [0], sizes = [1], strides = [1]} : vector<16xi32> to vector<1xi32>
            %squeeze3A_250 = vector.extract %slice3A_249[0] : i32 from vector<1xi32>
            %shift_right_arithmetic3A_251 = arith.constant 4 : i32
            %shift_right_arithmetic3A_252 = arith.shrsi %scan3A_126, %shift_right_arithmetic3A_251 : i32
            %mul3A_253 = arith.constant 16 : i32
            %mul3A_254 = arith.muli %shift_right_arithmetic3A_252, %mul3A_253 : i32
            %get3A_255 = arith.index_cast %mul3A_254 : i32 to index
            %get3A_256 = tpu.vector_load %arg8[%get3A_255] {strides = array<i32>} : memref<128xf32, #tpu.memory_space<vmem>>, vector<16xf32>,
            %get3A_257 = vector.shape_cast %get3A_256 : vector<16xf32> to vector<16xf32>
            %and3A_258 = arith.constant 15 : i32
            %and3A_259 = arith.andi %scan3A_126, %and3A_258 : i32
            %eq3A_260 = vector.broadcast %and3A_259 : i32 to vector<16xi32>
            %eq3A_261 = arith.cmpi eq, %iota3A, %eq3A_260 : vector<16xi32>
            %jit3A_262 = arith.constant 0xFF800000 : f32
            %broadcast_in_dim3A_263 = vector.broadcast %jit3A_262 : f32 to vector<16xf32>
            %select_n3A_264 = arith.select %eq3A_261, %get3A_257, %broadcast_in_dim3A_263 : vector<16xi1>, vector<16xf32>
            %xor3A_265 = arith.constant 1 : i32
            %xor3A_266 = vector.broadcast %xor3A_265 : i32 to vector<16xi32>
            %xor3A_267 = arith.xori %iota3A, %xor3A_266 : vector<16xi32>
            %lt3A_268 = arith.constant 0 : i32
            %lt3A_269 = vector.broadcast %lt3A_268 : i32 to vector<16xi32>
            %lt3A_270 = arith.cmpi slt, %xor3A_267, %lt3A_269 : vector<16xi32>
            %add3A_271 = arith.constant 16 : i32
            %add3A_272 = vector.broadcast %add3A_271 : i32 to vector<16xi32>
            %add3A_273 = arith.addi %xor3A_267, %add3A_272 : vector<16xi32>
            %select_n3A_274 = arith.select %lt3A_270, %add3A_273, %xor3A_267 : vector<16xi1>, vector<16xi32>
            %broadcast_in_dim3A_275 = vector.shape_cast %select_n3A_274 : vector<16xi32> to vector<16x1xi32>
            %gather3A_276 = vector.shape_cast %broadcast_in_dim3A_275 : vector<16x1xi32> to vector<16xi32>
            %gather3A_277 = tpu.dynamic_gather %select_n3A_264[%gather3A_276] in [0] : vector<16xf32>, vector<16xi32> -> vector<16xf32>
            %max3A_278 = arith.maximumf %select_n3A_264, %gather3A_277 : vector<16xf32>
            %xor3A_279 = arith.constant 2 : i32
            %xor3A_280 = vector.broadcast %xor3A_279 : i32 to vector<16xi32>
            %xor3A_281 = arith.xori %iota3A, %xor3A_280 : vector<16xi32>
            %lt3A_282 = arith.constant 0 : i32
            %lt3A_283 = vector.broadcast %lt3A_282 : i32 to vector<16xi32>
            %lt3A_284 = arith.cmpi slt, %xor3A_281, %lt3A_283 : vector<16xi32>
            %add3A_285 = arith.constant 16 : i32
            %add3A_286 = vector.broadcast %add3A_285 : i32 to vector<16xi32>
            %add3A_287 = arith.addi %xor3A_281, %add3A_286 : vector<16xi32>
            %select_n3A_288 = arith.select %lt3A_284, %add3A_287, %xor3A_281 : vector<16xi1>, vector<16xi32>
            %broadcast_in_dim3A_289 = vector.shape_cast %select_n3A_288 : vector<16xi32> to vector<16x1xi32>
            %gather3A_290 = vector.shape_cast %broadcast_in_dim3A_289 : vector<16x1xi32> to vector<16xi32>
            %gather3A_291 = tpu.dynamic_gather %max3A_278[%gather3A_290] in [0] : vector<16xf32>, vector<16xi32> -> vector<16xf32>
            %max3A_292 = arith.maximumf %max3A_278, %gather3A_291 : vector<16xf32>
            %xor3A_293 = arith.constant 4 : i32
            %xor3A_294 = vector.broadcast %xor3A_293 : i32 to vector<16xi32>
            %xor3A_295 = arith.xori %iota3A, %xor3A_294 : vector<16xi32>
            %lt3A_296 = arith.constant 0 : i32
            %lt3A_297 = vector.broadcast %lt3A_296 : i32 to vector<16xi32>
            %lt3A_298 = arith.cmpi slt, %xor3A_295, %lt3A_297 : vector<16xi32>
            %add3A_299 = arith.constant 16 : i32
            %add3A_300 = vector.broadcast %add3A_299 : i32 to vector<16xi32>
            %add3A_301 = arith.addi %xor3A_295, %add3A_300 : vector<16xi32>
            %select_n3A_302 = arith.select %lt3A_298, %add3A_301, %xor3A_295 : vector<16xi1>, vector<16xi32>
            %broadcast_in_dim3A_303 = vector.shape_cast %select_n3A_302 : vector<16xi32> to vector<16x1xi32>
            %gather3A_304 = vector.shape_cast %broadcast_in_dim3A_303 : vector<16x1xi32> to vector<16xi32>
            %gather3A_305 = tpu.dynamic_gather %max3A_292[%gather3A_304] in [0] : vector<16xf32>, vector<16xi32> -> vector<16xf32>
            %max3A_306 = arith.maximumf %max3A_292, %gather3A_305 : vector<16xf32>
            %xor3A_307 = arith.constant 8 : i32
            %xor3A_308 = vector.broadcast %xor3A_307 : i32 to vector<16xi32>
            %xor3A_309 = arith.xori %iota3A, %xor3A_308 : vector<16xi32>
            %lt3A_310 = arith.constant 0 : i32
            %lt3A_311 = vector.broadcast %lt3A_310 : i32 to vector<16xi32>
            %lt3A_312 = arith.cmpi slt, %xor3A_309, %lt3A_311 : vector<16xi32>
            %add3A_313 = arith.constant 16 : i32
            %add3A_314 = vector.broadcast %add3A_313 : i32 to vector<16xi32>
            %add3A_315 = arith.addi %xor3A_309, %add3A_314 : vector<16xi32>
            %select_n3A_316 = arith.select %lt3A_312, %add3A_315, %xor3A_309 : vector<16xi1>, vector<16xi32>
            %broadcast_in_dim3A_317 = vector.shape_cast %select_n3A_316 : vector<16xi32> to vector<16x1xi32>
            %gather3A_318 = vector.shape_cast %broadcast_in_dim3A_317 : vector<16x1xi32> to vector<16xi32>
            %gather3A_319 = tpu.dynamic_gather %max3A_306[%gather3A_318] in [0] : vector<16xf32>, vector<16xi32> -> vector<16xf32>
            %max3A_320 = arith.maximumf %max3A_306, %gather3A_319 : vector<16xf32>
            %slice3A_321 = vector.extract_strided_slice %max3A_320 {offsets = [0], sizes = [1], strides = [1]} : vector<16xf32> to vector<1xf32>
            %squeeze3A_322 = vector.extract %slice3A_321[0] : f32 from vector<1xf32>
            %gt3A = arith.constant 0xFF800000 : f32
            %gt3A_323 = arith.cmpf ogt, %squeeze3A_322, %gt3A : f32
            %mul3A_324 = arith.constant 128 : i32
            %mul3A_325 = arith.muli %squeeze3A_250, %mul3A_324 : i32
            %add3A_326 = arith.addi %mul3A_325, %scan3A_126 : i32
            %gt3A_327 = arith.cmpf ogt, %squeeze3A, %scan3A_127 : f32
            %eq3A_328 = arith.cmpf oeq, %squeeze3A, %scan3A_127 : f32
            %lt3A_329 = arith.cmpi slt, %add3A_326, %scan3A_128 : i32
            %and3A_330 = arith.andi %eq3A_328, %lt3A_329 : i1
            %or3A = arith.ori %gt3A_327, %and3A_330 : i1
            %and3A_331 = arith.andi %gt3A_323, %or3A : i1
            %select_n3A_332 = arith.select %and3A_331, %squeeze3A, %scan3A_127 : f32
            %select_n3A_333 = arith.select %and3A_331, %add3A_326, %scan3A_128 : i32
            scf.yield %select_n3A_332, %select_n3A_333 : f32, i32
          }
          %scan3A_52 = arith.constant 112 : i32
          %shift_right_logical3A = arith.constant 7 : i32
          %shift_right_logical3A_53 = arith.shrui %scan3A_51#1, %shift_right_logical3A : i32
          %and3A_54 = arith.constant 127 : i32
          %and3A_55 = arith.andi %scan3A_51#1, %and3A_54 : i32
          %shift_right_arithmetic3A = arith.constant 4 : i32
          %shift_right_arithmetic3A_56 = arith.shrsi %get3A_39, %shift_right_arithmetic3A : i32
          %mul3A = arith.constant 16 : i32
          %mul3A_57 = arith.muli %shift_right_arithmetic3A_56, %mul3A : i32
          %get3A_58 = arith.index_cast %mul3A_57 : i32 to index
          %get3A_59 = tpu.vector_load %arg10[%get3A_58] {strides = array<i32>} : memref<128xi32, #tpu.memory_space<vmem>>, vector<16xi32>,
          %get3A_60 = vector.shape_cast %get3A_59 : vector<16xi32> to vector<16xi32>
          %and3A_61 = arith.constant 15 : i32
          %and3A_62 = arith.andi %get3A_39, %and3A_61 : i32
          %eq3A_63 = vector.broadcast %and3A_62 : i32 to vector<16xi32>
          %eq3A_64 = arith.cmpi eq, %iota3A, %eq3A_63 : vector<16xi32>
          %broadcast_in_dim3A_65 = vector.broadcast %shift_right_logical3A_53 : i32 to vector<16xi32>
          %select_n3A = arith.select %eq3A_64, %broadcast_in_dim3A_65, %get3A_60 : vector<16xi1>, vector<16xi32>
          %swap3A_66 = arith.index_cast %mul3A_57 : i32 to index
          %swap3A_67 = tpu.vector_load %arg10[%swap3A_66] {strides = array<i32>} : memref<128xi32, #tpu.memory_space<vmem>>, vector<16xi32>,
          %swap3A_68 = vector.shape_cast %swap3A_67 : vector<16xi32> to vector<16xi32>
          %swap3A_69 = vector.shape_cast %select_n3A : vector<16xi32> to vector<16xi32>
          tpu.vector_store %arg10[%swap3A_66], %swap3A_69 {strides = array<i32>} : memref<128xi32, #tpu.memory_space<vmem>>, vector<16xi32>,
          %shift_right_arithmetic3A_70 = arith.constant 4 : i32
          %shift_right_arithmetic3A_71 = arith.shrsi %get3A_39, %shift_right_arithmetic3A_70 : i32
          %mul3A_72 = arith.constant 16 : i32
          %mul3A_73 = arith.muli %shift_right_arithmetic3A_71, %mul3A_72 : i32
          %get3A_74 = arith.index_cast %mul3A_73 : i32 to index
          %get3A_75 = tpu.vector_load %arg11[%get3A_74] {strides = array<i32>} : memref<128xi32, #tpu.memory_space<vmem>>, vector<16xi32>,
          %get3A_76 = vector.shape_cast %get3A_75 : vector<16xi32> to vector<16xi32>
          %and3A_77 = arith.constant 15 : i32
          %and3A_78 = arith.andi %get3A_39, %and3A_77 : i32
          %eq3A_79 = vector.broadcast %and3A_78 : i32 to vector<16xi32>
          %eq3A_80 = arith.cmpi eq, %iota3A, %eq3A_79 : vector<16xi32>
          %broadcast_in_dim3A_81 = vector.broadcast %and3A_55 : i32 to vector<16xi32>
          %select_n3A_82 = arith.select %eq3A_80, %broadcast_in_dim3A_81, %get3A_76 : vector<16xi1>, vector<16xi32>
          %swap3A_83 = arith.index_cast %mul3A_73 : i32 to index
          %swap3A_84 = tpu.vector_load %arg11[%swap3A_83] {strides = array<i32>} : memref<128xi32, #tpu.memory_space<vmem>>, vector<16xi32>,
          %swap3A_85 = vector.shape_cast %swap3A_84 : vector<16xi32> to vector<16xi32>
          %swap3A_86 = vector.shape_cast %select_n3A_82 : vector<16xi32> to vector<16xi32>
          tpu.vector_store %arg11[%swap3A_83], %swap3A_86 {strides = array<i32>} : memref<128xi32, #tpu.memory_space<vmem>>, vector<16xi32>,
          %shift_right_arithmetic3A_87 = arith.constant 4 : i32
          %shift_right_arithmetic3A_88 = arith.shrsi %shift_right_logical3A_53, %shift_right_arithmetic3A_87 : i32
          %mul3A_89 = arith.constant 16 : i32
          %mul3A_90 = arith.muli %shift_right_arithmetic3A_88, %mul3A_89 : i32
          %get3A_91 = arith.index_cast %mul3A_90 : i32 to index
          %get3A_92 = tpu.vector_load %arg12[%get3A_91] {strides = array<i32>} : memref<1008xi32, #tpu.memory_space<vmem>>, vector<16xi32>,
          %get3A_93 = vector.shape_cast %get3A_92 : vector<16xi32> to vector<16xi32>
          %and3A_94 = arith.constant 15 : i32
          %and3A_95 = arith.andi %shift_right_logical3A_53, %and3A_94 : i32
          %eq3A_96 = vector.broadcast %and3A_95 : i32 to vector<16xi32>
          %eq3A_97 = arith.cmpi eq, %iota3A, %eq3A_96 : vector<16xi32>
          %jit3A = arith.constant 1 : i32
          %broadcast_in_dim3A_98 = vector.broadcast %jit3A : i32 to vector<16xi32>
          %select_n3A_99 = arith.select %eq3A_97, %broadcast_in_dim3A_98, %get3A_93 : vector<16xi1>, vector<16xi32>
          %swap3A_100 = arith.index_cast %mul3A_90 : i32 to index
          %swap3A_101 = tpu.vector_load %arg12[%swap3A_100] {strides = array<i32>} : memref<1008xi32, #tpu.memory_space<vmem>>, vector<16xi32>,
          %swap3A_102 = vector.shape_cast %swap3A_101 : vector<16xi32> to vector<16xi32>
          %swap3A_103 = vector.shape_cast %select_n3A_99 : vector<16xi32> to vector<16xi32>
          tpu.vector_store %arg12[%swap3A_100], %swap3A_103 {strides = array<i32>} : memref<1008xi32, #tpu.memory_space<vmem>>, vector<16xi32>,
          %shift_right_arithmetic3A_104 = arith.constant 4 : i32
          %shift_right_arithmetic3A_105 = arith.shrsi %and3A_55, %shift_right_arithmetic3A_104 : i32
          %mul3A_106 = arith.constant 16 : i32
          %mul3A_107 = arith.muli %shift_right_arithmetic3A_105, %mul3A_106 : i32
          %get3A_108 = arith.index_cast %mul3A_107 : i32 to index
          %get3A_109 = tpu.vector_load %arg8[%get3A_108] {strides = array<i32>} : memref<128xf32, #tpu.memory_space<vmem>>, vector<16xf32>,
          %get3A_110 = vector.shape_cast %get3A_109 : vector<16xf32> to vector<16xf32>
          %and3A_111 = arith.constant 15 : i32
          %and3A_112 = arith.andi %and3A_55, %and3A_111 : i32
          %eq3A_113 = vector.broadcast %and3A_112 : i32 to vector<16xi32>
          %eq3A_114 = arith.cmpi eq, %iota3A, %eq3A_113 : vector<16xi32>
          %jit3A_115 = arith.constant 0xFF800000 : f32
          %broadcast_in_dim3A_116 = vector.broadcast %jit3A_115 : f32 to vector<16xf32>
          %select_n3A_117 = arith.select %eq3A_114, %broadcast_in_dim3A_116, %get3A_110 : vector<16xi1>, vector<16xf32>
          %swap3A_118 = arith.index_cast %mul3A_107 : i32 to index
          %swap3A_119 = tpu.vector_load %arg8[%swap3A_118] {strides = array<i32>} : memref<128xf32, #tpu.memory_space<vmem>>, vector<16xf32>,
          %swap3A_120 = vector.shape_cast %swap3A_119 : vector<16xf32> to vector<16xf32>
          %swap3A_121 = vector.shape_cast %select_n3A_117 : vector<16xf32> to vector<16xf32>
          tpu.vector_store %arg8[%swap3A_118], %swap3A_121 {strides = array<i32>} : memref<128xf32, #tpu.memory_space<vmem>>, vector<16xf32>,
          %add3A = arith.constant 1 : i32
          %add3A_122 = arith.addi %get3A_39, %add3A : i32
          %swap3A_123 = arith.constant 0 : i32
          %swap3A_124 = arith.index_cast %swap3A_123 : i32 to index
          %swap3A_125 = memref.load %arg13[%swap3A_124] : memref<1xi32, #tpu.memory_space<smem>>
          memref.store %add3A_122, %arg13[%swap3A_124] : memref<1xi32, #tpu.memory_space<smem>>
        } else {
        }
      }
      %scan3A_34 = arith.constant 100 : i32
      %run_scoped3A_35 = arith.constant 0 : i32
      "tpu.region"() ({
        %run_scoped3A_37 = tpu.sem_alloc : memref<!tpu.dma_semaphore, #tpu.memory_space<semaphore_mem>>
        %dma_start3A = arith.constant 0 : i32
        %dma_start3A_38 = tpu.memref_slice %arg5[%arg1, %run_scoped3A_35, %dma_start3A] : memref<8x1x128xi32, #tpu.memory_space<hbm>> -> memref<1x1x128xi32, #tpu.memory_space<hbm>>
        %dma_start3A_39 = tpu.memref_squeeze %dma_start3A_38 : memref<1x1x128xi32, #tpu.memory_space<hbm>> -> memref<128xi32, #tpu.memory_space<hbm>>
        %dma_start3A_40 = arith.constant 0 : i32
        %dma_start3A_41 = tpu.memref_slice %arg5[%arg1, %run_scoped3A_35, %dma_start3A_40] : memref<8x1x128xi32, #tpu.memory_space<hbm>> -> memref<1x1x128xi32, #tpu.memory_space<hbm>>
        %dma_start3A_42 = tpu.memref_squeeze %dma_start3A_41 : memref<1x1x128xi32, #tpu.memory_space<hbm>> -> memref<128xi32, #tpu.memory_space<hbm>>
        tpu.enqueue_dma source(%arg10 : memref<128xi32, #tpu.memory_space<vmem>>) target(%dma_start3A_42 : memref<128xi32, #tpu.memory_space<hbm>>) target_semaphore(%run_scoped3A_37 : memref<!tpu.dma_semaphore, #tpu.memory_space<semaphore_mem>>)
        %dma_wait3A = arith.constant 0 : i32
        %dma_wait3A_43 = tpu.memref_slice %arg5[%arg1, %run_scoped3A_35, %dma_wait3A] : memref<8x1x128xi32, #tpu.memory_space<hbm>> -> memref<1x1x128xi32, #tpu.memory_space<hbm>>
        %dma_wait3A_44 = tpu.memref_squeeze %dma_wait3A_43 : memref<1x1x128xi32, #tpu.memory_space<hbm>> -> memref<128xi32, #tpu.memory_space<hbm>>
        %dma_wait3A_45 = arith.constant 0 : i32
        %dma_wait3A_46 = tpu.memref_slice %arg5[%arg1, %run_scoped3A_35, %dma_wait3A_45] : memref<8x1x128xi32, #tpu.memory_space<hbm>> -> memref<1x1x128xi32, #tpu.memory_space<hbm>>
        %dma_wait3A_47 = tpu.memref_squeeze %dma_wait3A_46 : memref<1x1x128xi32, #tpu.memory_space<hbm>> -> memref<128xi32, #tpu.memory_space<hbm>>
        tpu.wait_dma2 semaphore(%run_scoped3A_37 : memref<!tpu.dma_semaphore, #tpu.memory_space<semaphore_mem>>) src(%arg10 : memref<128xi32, #tpu.memory_space<vmem>>) dst(%dma_wait3A_47 : memref<128xi32, #tpu.memory_space<hbm>>)
        tpu.yield
      }) : () -> ()
      %run_scoped3A_36 = arith.constant 0 : i32
      "tpu.region"() ({
        %run_scoped3A_37 = tpu.sem_alloc : memref<!tpu.dma_semaphore, #tpu.memory_space<semaphore_mem>>
        %dma_start3A = arith.constant 0 : i32
        %dma_start3A_38 = tpu.memref_slice %arg6[%arg1, %run_scoped3A_36, %dma_start3A] : memref<8x1x128xi32, #tpu.memory_space<hbm>> -> memref<1x1x128xi32, #tpu.memory_space<hbm>>
        %dma_start3A_39 = tpu.memref_squeeze %dma_start3A_38 : memref<1x1x128xi32, #tpu.memory_space<hbm>> -> memref<128xi32, #tpu.memory_space<hbm>>
        %dma_start3A_40 = arith.constant 0 : i32
        %dma_start3A_41 = tpu.memref_slice %arg6[%arg1, %run_scoped3A_36, %dma_start3A_40] : memref<8x1x128xi32, #tpu.memory_space<hbm>> -> memref<1x1x128xi32, #tpu.memory_space<hbm>>
        %dma_start3A_42 = tpu.memref_squeeze %dma_start3A_41 : memref<1x1x128xi32, #tpu.memory_space<hbm>> -> memref<128xi32, #tpu.memory_space<hbm>>
        tpu.enqueue_dma source(%arg11 : memref<128xi32, #tpu.memory_space<vmem>>) target(%dma_start3A_42 : memref<128xi32, #tpu.memory_space<hbm>>) target_semaphore(%run_scoped3A_37 : memref<!tpu.dma_semaphore, #tpu.memory_space<semaphore_mem>>)
        %dma_wait3A = arith.constant 0 : i32
        %dma_wait3A_43 = tpu.memref_slice %arg6[%arg1, %run_scoped3A_36, %dma_wait3A] : memref<8x1x128xi32, #tpu.memory_space<hbm>> -> memref<1x1x128xi32, #tpu.memory_space<hbm>>
        %dma_wait3A_44 = tpu.memref_squeeze %dma_wait3A_43 : memref<1x1x128xi32, #tpu.memory_space<hbm>> -> memref<128xi32, #tpu.memory_space<hbm>>
        %dma_wait3A_45 = arith.constant 0 : i32
        %dma_wait3A_46 = tpu.memref_slice %arg6[%arg1, %run_scoped3A_36, %dma_wait3A_45] : memref<8x1x128xi32, #tpu.memory_space<hbm>> -> memref<1x1x128xi32, #tpu.memory_space<hbm>>
        %dma_wait3A_47 = tpu.memref_squeeze %dma_wait3A_46 : memref<1x1x128xi32, #tpu.memory_space<hbm>> -> memref<128xi32, #tpu.memory_space<hbm>>
        tpu.wait_dma2 semaphore(%run_scoped3A_37 : memref<!tpu.dma_semaphore, #tpu.memory_space<semaphore_mem>>) src(%arg11 : memref<128xi32, #tpu.memory_space<vmem>>) dst(%dma_wait3A_47 : memref<128xi32, #tpu.memory_space<hbm>>)
        tpu.yield
      }) : () -> ()
    } else {
    }
    return
  }
}

module attributes {stable_mosaic.version = 14 : i64} {
  func.func @_build_body(%arg0: i32, %arg1: memref<1x4x1008xf32, #tpu.memory_space<vmem>>, %arg2: memref<1x128x4xf32, #tpu.memory_space<vmem>>, %arg3: memref<1x112x1008xf32, #tpu.memory_space<vmem>>, %arg4: memref<1x1x128xf32, #tpu.memory_space<vmem>>, %arg5: memref<1x1x128xi32, #tpu.memory_space<vmem>>) attributes {dimension_semantics = [#tpu.dimension_semantics<arbitrary>], iteration_bounds = array<i64: 8>, scalar_prefetch = 0 : i64, scratch_operands = 0 : i64, tpu.core_type = #tpu.core_type<tc>, window_params = [{transform_indices = @transform_0, window_bounds = array<i64: 1, 4, 1008>}, {transform_indices = @transform_1, window_bounds = array<i64: 1, 128, 4>}, {transform_indices = @transform_2, window_bounds = array<i64: 1, 112, 1008>}, {transform_indices = @transform_3, window_bounds = array<i64: 1, 1, 128>}, {transform_indices = @transform_4, window_bounds = array<i64: 1, 1, 128>}]} {
    %get3A = arith.constant 0 : index
    %get3A_0 = arith.constant 0 : index
    %get3A_1 = arith.constant 0 : index
    %get3A_2 = vector.load %arg1[%get3A, %get3A_0, %get3A_1] : memref<1x4x1008xf32, #tpu.memory_space<vmem>>, vector<1x1x1008xf32>
    %get3A_3 = vector.shape_cast %get3A_2 : vector<1x1x1008xf32> to vector<1x1008xf32>
    %get3A_4 = arith.constant 0 : index
    %get3A_5 = arith.constant 1 : index
    %get3A_6 = arith.constant 0 : index
    %get3A_7 = vector.load %arg1[%get3A_4, %get3A_5, %get3A_6] : memref<1x4x1008xf32, #tpu.memory_space<vmem>>, vector<1x1x1008xf32>
    %get3A_8 = vector.shape_cast %get3A_7 : vector<1x1x1008xf32> to vector<1x1008xf32>
    %get3A_9 = arith.constant 0 : index
    %get3A_10 = arith.constant 2 : index
    %get3A_11 = arith.constant 0 : index
    %get3A_12 = vector.load %arg1[%get3A_9, %get3A_10, %get3A_11] : memref<1x4x1008xf32, #tpu.memory_space<vmem>>, vector<1x1x1008xf32>
    %get3A_13 = vector.shape_cast %get3A_12 : vector<1x1x1008xf32> to vector<1x1008xf32>
    %get3A_14 = arith.constant 0 : index
    %get3A_15 = arith.constant 3 : index
    %get3A_16 = arith.constant 0 : index
    %get3A_17 = vector.load %arg1[%get3A_14, %get3A_15, %get3A_16] : memref<1x4x1008xf32, #tpu.memory_space<vmem>>, vector<1x1x1008xf32>
    %get3A_18 = vector.shape_cast %get3A_17 : vector<1x1x1008xf32> to vector<1x1008xf32>
    %get3A_19 = arith.constant 0 : index
    %get3A_20 = arith.constant 0 : index
    %get3A_21 = arith.constant 0 : index
    %get3A_22 = vector.load %arg2[%get3A_19, %get3A_20, %get3A_21] : memref<1x128x4xf32, #tpu.memory_space<vmem>>, vector<1x112x1xf32>
    %get3A_23 = vector.shape_cast %get3A_22 : vector<1x112x1xf32> to vector<112x1xf32>
    %get3A_24 = arith.constant 0 : index
    %get3A_25 = arith.constant 0 : index
    %get3A_26 = arith.constant 1 : index
    %get3A_27 = vector.load %arg2[%get3A_24, %get3A_25, %get3A_26] : memref<1x128x4xf32, #tpu.memory_space<vmem>>, vector<1x112x1xf32>
    %get3A_28 = vector.shape_cast %get3A_27 : vector<1x112x1xf32> to vector<112x1xf32>
    %get3A_29 = arith.constant 0 : index
    %get3A_30 = arith.constant 0 : index
    %get3A_31 = arith.constant 2 : index
    %get3A_32 = vector.load %arg2[%get3A_29, %get3A_30, %get3A_31] : memref<1x128x4xf32, #tpu.memory_space<vmem>>, vector<1x112x1xf32>
    %get3A_33 = vector.shape_cast %get3A_32 : vector<1x112x1xf32> to vector<112x1xf32>
    %get3A_34 = arith.constant 0 : index
    %get3A_35 = arith.constant 0 : index
    %get3A_36 = arith.constant 3 : index
    %get3A_37 = vector.load %arg2[%get3A_34, %get3A_35, %get3A_36] : memref<1x128x4xf32, #tpu.memory_space<vmem>>, vector<1x112x1xf32>
    %get3A_38 = vector.shape_cast %get3A_37 : vector<1x112x1xf32> to vector<112x1xf32>
    %sub3A = arith.subf %get3A_13, %get3A_3 : vector<1x1008xf32>
    %sub3A_39 = arith.subf %get3A_18, %get3A_8 : vector<1x1008xf32>
    %mul3A = arith.mulf %sub3A, %sub3A_39 : vector<1x1008xf32>
    %sub3A_40 = arith.subf %get3A_33, %get3A_23 : vector<112x1xf32>
    %sub3A_41 = arith.subf %get3A_38, %get3A_28 : vector<112x1xf32>
    %mul3A_42 = arith.mulf %sub3A_40, %sub3A_41 : vector<112x1xf32>
    %min3A = vector.broadcast %get3A_13 : vector<1x1008xf32> to vector<112x1008xf32>
    %min3A_43 = vector.broadcast %get3A_33 : vector<112x1xf32> to vector<112x1008xf32>
    %min3A_44 = arith.minimumf %min3A, %min3A_43 : vector<112x1008xf32>
    %max3A = vector.broadcast %get3A_3 : vector<1x1008xf32> to vector<112x1008xf32>
    %max3A_45 = vector.broadcast %get3A_23 : vector<112x1xf32> to vector<112x1008xf32>
    %max3A_46 = arith.maximumf %max3A, %max3A_45 : vector<112x1008xf32>
    %sub3A_47 = arith.subf %min3A_44, %max3A_46 : vector<112x1008xf32>
    %max3A_48 = arith.constant 0.000000e+00 : f32
    %max3A_49 = vector.broadcast %max3A_48 : f32 to vector<112x1008xf32>
    %max3A_50 = arith.maximumf %sub3A_47, %max3A_49 : vector<112x1008xf32>
    %min3A_51 = vector.broadcast %get3A_18 : vector<1x1008xf32> to vector<112x1008xf32>
    %min3A_52 = vector.broadcast %get3A_38 : vector<112x1xf32> to vector<112x1008xf32>
    %min3A_53 = arith.minimumf %min3A_51, %min3A_52 : vector<112x1008xf32>
    %max3A_54 = vector.broadcast %get3A_8 : vector<1x1008xf32> to vector<112x1008xf32>
    %max3A_55 = vector.broadcast %get3A_28 : vector<112x1xf32> to vector<112x1008xf32>
    %max3A_56 = arith.maximumf %max3A_54, %max3A_55 : vector<112x1008xf32>
    %sub3A_57 = arith.subf %min3A_53, %max3A_56 : vector<112x1008xf32>
    %max3A_58 = arith.constant 0.000000e+00 : f32
    %max3A_59 = vector.broadcast %max3A_58 : f32 to vector<112x1008xf32>
    %max3A_60 = arith.maximumf %sub3A_57, %max3A_59 : vector<112x1008xf32>
    %mul3A_61 = arith.mulf %max3A_50, %max3A_60 : vector<112x1008xf32>
    %add3A = vector.broadcast %mul3A : vector<1x1008xf32> to vector<112x1008xf32>
    %add3A_62 = vector.broadcast %mul3A_42 : vector<112x1xf32> to vector<112x1008xf32>
    %add3A_63 = arith.addf %add3A, %add3A_62 : vector<112x1008xf32>
    %sub3A_64 = arith.subf %add3A_63, %mul3A_61 : vector<112x1008xf32>
    %div3A = arith.divf %mul3A_61, %sub3A_64 : vector<112x1008xf32>
    %iota3A = tpu.iota {dimensions = array<i32: 0>} : vector<112x1008xi32>
    %iota3A_65 = tpu.iota {dimensions = array<i32: 1>} : vector<112x1008xi32>
    %lt3A = arith.constant 100 : i32
    %lt3A_66 = vector.broadcast %lt3A : i32 to vector<112x1008xi32>
    %lt3A_67 = arith.cmpi slt, %iota3A, %lt3A_66 : vector<112x1008xi32>
    %lt3A_68 = arith.constant 1000 : i32
    %lt3A_69 = vector.broadcast %lt3A_68 : i32 to vector<112x1008xi32>
    %lt3A_70 = arith.cmpi slt, %iota3A_65, %lt3A_69 : vector<112x1008xi32>
    %and3A = arith.andi %lt3A_67, %lt3A_70 : vector<112x1008xi1>
    %jit3A = arith.constant 0xFF800000 : f32
    %broadcast_in_dim3A = vector.broadcast %jit3A : f32 to vector<112x1008xf32>
    %select_n3A = arith.select %and3A, %div3A, %broadcast_in_dim3A : vector<112x1008xi1>, vector<112x1008xf32>
    %swap3A = arith.constant 0 : index
    %swap3A_71 = arith.constant 0 : index
    %swap3A_72 = arith.constant 0 : index
    %swap3A_73 = vector.load %arg3[%swap3A, %swap3A_71, %swap3A_72] : memref<1x112x1008xf32, #tpu.memory_space<vmem>>, vector<1x112x1008xf32>
    %swap3A_74 = vector.shape_cast %swap3A_73 : vector<1x112x1008xf32> to vector<112x1008xf32>
    %swap3A_75 = vector.shape_cast %select_n3A : vector<112x1008xf32> to vector<1x112x1008xf32>
    tpu.vector_store %arg3[%swap3A, %swap3A_71, %swap3A_72], %swap3A_75 {strides = array<i32>} : memref<1x112x1008xf32, #tpu.memory_space<vmem>>, vector<1x112x1008xf32>,
    %reduce_max3A = arith.constant dense<0xFF800000> : vector<112xf32>
    %reduce_max3A_76 = vector.multi_reduction <maximumf>, %select_n3A, %reduce_max3A [1] : vector<112x1008xf32> to vector<112xf32>
    %broadcast_in_dim3A_77 = vector.shape_cast %reduce_max3A_76 : vector<112xf32> to vector<112x1xf32>
    %eq3A = vector.broadcast %broadcast_in_dim3A_77 : vector<112x1xf32> to vector<112x1008xf32>
    %eq3A_78 = arith.cmpf oeq, %select_n3A, %eq3A : vector<112x1008xf32>
    %jit3A_79 = arith.constant 268435456 : i32
    %broadcast_in_dim3A_80 = vector.broadcast %jit3A_79 : i32 to vector<112x1008xi32>
    %select_n3A_81 = arith.select %eq3A_78, %iota3A_65, %broadcast_in_dim3A_80 : vector<112x1008xi1>, vector<112x1008xi32>
    %reduce_min3A = arith.constant dense<2147483647> : vector<112xi32>
    %reduce_min3A_82 = vector.multi_reduction <minsi>, %select_n3A_81, %reduce_min3A [1] : vector<112x1008xi32> to vector<112xi32>
    %broadcast_in_dim3A_83 = vector.shape_cast %reduce_min3A_82 : vector<112xi32> to vector<112x1xi32>
    %iota3A_84 = tpu.iota {dimensions = array<i32: 0>} : vector<112x128xi32>
    %iota3A_85 = tpu.iota {dimensions = array<i32: 1>} : vector<112x128xi32>
    %eq3A_86 = arith.cmpi eq, %iota3A_84, %iota3A_85 : vector<112x128xi32>
    %iota3A_87 = tpu.iota {dimensions = array<i32: 1>} : vector<1x128xi32>
    %jit3A_88 = arith.constant 0.000000e+00 : f32
    %broadcast_in_dim3A_89 = vector.shape_cast %broadcast_in_dim3A_77 : vector<112x1xf32> to vector<112x1xf32>
    %broadcast_in_dim3A_90 = vector.broadcast %broadcast_in_dim3A_89 : vector<112x1xf32> to vector<112x128xf32>
    %broadcast_in_dim3A_91 = vector.broadcast %jit3A_88 : f32 to vector<112x128xf32>
    %select_n3A_92 = arith.select %eq3A_86, %broadcast_in_dim3A_90, %broadcast_in_dim3A_91 : vector<112x128xi1>, vector<112x128xf32>
    %reduce_sum3A = arith.constant dense<0.000000e+00> : vector<128xf32>
    %reduce_sum3A_93 = vector.multi_reduction <add>, %select_n3A_92, %reduce_sum3A [0] : vector<112x128xf32> to vector<128xf32>
    %broadcast_in_dim3A_94 = vector.shape_cast %reduce_sum3A_93 : vector<128xf32> to vector<1x128xf32>
    %lt3A_95 = arith.constant 112 : i32
    %lt3A_96 = vector.broadcast %lt3A_95 : i32 to vector<1x128xi32>
    %lt3A_97 = arith.cmpi slt, %iota3A_87, %lt3A_96 : vector<1x128xi32>
    %jit3A_98 = arith.constant 0xFF800000 : f32
    %broadcast_in_dim3A_99 = vector.broadcast %jit3A_98 : f32 to vector<1x128xf32>
    %select_n3A_100 = arith.select %lt3A_97, %broadcast_in_dim3A_94, %broadcast_in_dim3A_99 : vector<1x128xi1>, vector<1x128xf32>
    %swap3A_101 = arith.constant 0 : index
    %swap3A_102 = arith.constant 0 : index
    %swap3A_103 = arith.constant 0 : index
    %swap3A_104 = vector.load %arg4[%swap3A_101, %swap3A_102, %swap3A_103] : memref<1x1x128xf32, #tpu.memory_space<vmem>>, vector<1x1x128xf32>
    %swap3A_105 = vector.shape_cast %swap3A_104 : vector<1x1x128xf32> to vector<1x128xf32>
    %swap3A_106 = vector.shape_cast %select_n3A_100 : vector<1x128xf32> to vector<1x1x128xf32>
    tpu.vector_store %arg4[%swap3A_101, %swap3A_102, %swap3A_103], %swap3A_106 {strides = array<i32>} : memref<1x1x128xf32, #tpu.memory_space<vmem>>, vector<1x1x128xf32>,
    %jit3A_107 = arith.constant 0 : i32
    %broadcast_in_dim3A_108 = vector.shape_cast %broadcast_in_dim3A_83 : vector<112x1xi32> to vector<112x1xi32>
    %broadcast_in_dim3A_109 = vector.broadcast %broadcast_in_dim3A_108 : vector<112x1xi32> to vector<112x128xi32>
    %broadcast_in_dim3A_110 = vector.broadcast %jit3A_107 : i32 to vector<112x128xi32>
    %select_n3A_111 = arith.select %eq3A_86, %broadcast_in_dim3A_109, %broadcast_in_dim3A_110 : vector<112x128xi1>, vector<112x128xi32>
    %reduce_sum3A_112 = arith.constant dense<0> : vector<128xi32>
    %reduce_sum3A_113 = vector.multi_reduction <add>, %select_n3A_111, %reduce_sum3A_112 [0] : vector<112x128xi32> to vector<128xi32>
    %broadcast_in_dim3A_114 = vector.shape_cast %reduce_sum3A_113 : vector<128xi32> to vector<1x128xi32>
    %swap3A_115 = arith.constant 0 : index
    %swap3A_116 = arith.constant 0 : index
    %swap3A_117 = arith.constant 0 : index
    %swap3A_118 = vector.load %arg5[%swap3A_115, %swap3A_116, %swap3A_117] : memref<1x1x128xi32, #tpu.memory_space<vmem>>, vector<1x1x128xi32>
    %swap3A_119 = vector.shape_cast %swap3A_118 : vector<1x1x128xi32> to vector<1x128xi32>
    %swap3A_120 = vector.shape_cast %broadcast_in_dim3A_114 : vector<1x128xi32> to vector<1x1x128xi32>
    tpu.vector_store %arg5[%swap3A_115, %swap3A_116, %swap3A_117], %swap3A_120 {strides = array<i32>} : memref<1x1x128xi32, #tpu.memory_space<vmem>>, vector<1x1x128xi32>,
    return
  }
  func.func @transform_0(%arg0: i32) -> (i32, i32, i32) {
    %c0_i32 = arith.constant 0 : i32
    %c0_i32_0 = arith.constant 0 : i32
    %c0_i32_1 = arith.constant 0 : i32
    return %arg0, %c0_i32, %c0_i32_0 : i32, i32, i32
  }
  func.func @transform_1(%arg0: i32) -> (i32, i32, i32) {
    %c0_i32 = arith.constant 0 : i32
    %c0_i32_0 = arith.constant 0 : i32
    %c0_i32_1 = arith.constant 0 : i32
    return %arg0, %c0_i32, %c0_i32_0 : i32, i32, i32
  }
  func.func @transform_2(%arg0: i32) -> (i32, i32, i32) {
    %c0_i32 = arith.constant 0 : i32
    %c0_i32_0 = arith.constant 0 : i32
    %c0_i32_1 = arith.constant 0 : i32
    return %arg0, %c0_i32, %c0_i32_0 : i32, i32, i32
  }
  func.func @transform_3(%arg0: i32) -> (i32, i32, i32) {
    %c0_i32 = arith.constant 0 : i32
    %c0_i32_0 = arith.constant 0 : i32
    %c0_i32_1 = arith.constant 0 : i32
    return %arg0, %c0_i32, %c0_i32_0 : i32, i32, i32
  }
  func.func @transform_4(%arg0: i32) -> (i32, i32, i32) {
    %c0_i32 = arith.constant 0 : i32
    %c0_i32_0 = arith.constant 0 : i32
    %c0_i32_1 = arith.constant 0 : i32
    return %arg0, %c0_i32, %c0_i32_0 : i32, i32, i32
  }
}

module attributes {stable_mosaic.version = 14 : i64} {
  func.func @_loss_body(%arg0: i32, %arg1: memref<1x1x128xi32, #tpu.memory_space<vmem>>, %arg2: memref<1x1x128xi32, #tpu.memory_space<vmem>>, %arg3: memref<1x1000x4xf32, #tpu.memory_space<vmem>>, %arg4: memref<1x128x4xf32, #tpu.memory_space<vmem>>, %arg5: memref<1x1xf32, #tpu.memory_space<vmem>>) attributes {dimension_semantics = [#tpu.dimension_semantics<arbitrary>], iteration_bounds = array<i64: 8>, scalar_prefetch = 0 : i64, scratch_operands = 0 : i64, tpu.core_type = #tpu.core_type<tc>, window_params = [{transform_indices = @transform_0, window_bounds = array<i64: 1, 1, 128>}, {transform_indices = @transform_1, window_bounds = array<i64: 1, 1, 128>}, {transform_indices = @transform_2, window_bounds = array<i64: 1, 1000, 4>}, {transform_indices = @transform_3, window_bounds = array<i64: 1, 128, 4>}, {pipeline_mode = #tpu.pipeline_mode<synchronous>, transform_indices = @transform_4, window_bounds = array<i64: 1, 1>}]} {
    %get3A = arith.constant 0 : index
    %get3A_0 = arith.constant 0 : index
    %get3A_1 = arith.constant 0 : index
    %get3A_2 = vector.load %arg1[%get3A, %get3A_0, %get3A_1] : memref<1x1x128xi32, #tpu.memory_space<vmem>>, vector<1x1x128xi32>
    %get3A_3 = vector.shape_cast %get3A_2 : vector<1x1x128xi32> to vector<1x128xi32>
    %get3A_4 = arith.constant 0 : index
    %get3A_5 = arith.constant 0 : index
    %get3A_6 = arith.constant 0 : index
    %get3A_7 = vector.load %arg2[%get3A_4, %get3A_5, %get3A_6] : memref<1x1x128xi32, #tpu.memory_space<vmem>>, vector<1x1x128xi32>
    %get3A_8 = vector.shape_cast %get3A_7 : vector<1x1x128xi32> to vector<1x128xi32>
    %iota3A = tpu.iota {dimensions = array<i32: 0>} : vector<128x128xi32>
    %iota3A_9 = tpu.iota {dimensions = array<i32: 1>} : vector<128x128xi32>
    %eq3A = arith.cmpi eq, %iota3A, %iota3A_9 : vector<128x128xi32>
    %jit3A = arith.constant 0 : i32
    %broadcast_in_dim3A = vector.shape_cast %get3A_3 : vector<1x128xi32> to vector<1x128xi32>
    %broadcast_in_dim3A_10 = vector.broadcast %broadcast_in_dim3A : vector<1x128xi32> to vector<128x128xi32>
    %broadcast_in_dim3A_11 = vector.broadcast %jit3A : i32 to vector<128x128xi32>
    %select_n3A = arith.select %eq3A, %broadcast_in_dim3A_10, %broadcast_in_dim3A_11 : vector<128x128xi1>, vector<128x128xi32>
    %reduce_sum3A = arith.constant dense<0> : vector<128xi32>
    %reduce_sum3A_12 = vector.multi_reduction <add>, %select_n3A, %reduce_sum3A [1] : vector<128x128xi32> to vector<128xi32>
    %broadcast_in_dim3A_13 = vector.shape_cast %reduce_sum3A_12 : vector<128xi32> to vector<128x1xi32>
    %jit3A_14 = arith.constant 0 : i32
    %broadcast_in_dim3A_15 = vector.shape_cast %get3A_8 : vector<1x128xi32> to vector<1x128xi32>
    %broadcast_in_dim3A_16 = vector.broadcast %broadcast_in_dim3A_15 : vector<1x128xi32> to vector<128x128xi32>
    %broadcast_in_dim3A_17 = vector.broadcast %jit3A_14 : i32 to vector<128x128xi32>
    %select_n3A_18 = arith.select %eq3A, %broadcast_in_dim3A_16, %broadcast_in_dim3A_17 : vector<128x128xi1>, vector<128x128xi32>
    %reduce_sum3A_19 = arith.constant dense<0> : vector<128xi32>
    %reduce_sum3A_20 = vector.multi_reduction <add>, %select_n3A_18, %reduce_sum3A_19 [1] : vector<128x128xi32> to vector<128xi32>
    %broadcast_in_dim3A_21 = vector.shape_cast %reduce_sum3A_20 : vector<128xi32> to vector<128x1xi32>
    %iota3A_22 = tpu.iota {dimensions = array<i32: 1>} : vector<1x128xi32>
    %iota3A_23 = tpu.iota {dimensions = array<i32: 0>} : vector<128x1xi32>
    %iota3A_24 = tpu.iota {dimensions = array<i32: 0>} : vector<1000x128xi32>
    %lt3A = vector.broadcast %broadcast_in_dim3A_13 : vector<128x1xi32> to vector<128x128xi32>
    %lt3A_25 = vector.broadcast %get3A_3 : vector<1x128xi32> to vector<128x128xi32>
    %lt3A_26 = arith.cmpi slt, %lt3A, %lt3A_25 : vector<128x128xi32>
    %jit3A_27 = arith.constant 1 : i32
    %jit3A_28 = arith.constant 0 : i32
    %broadcast_in_dim3A_29 = vector.broadcast %jit3A_27 : i32 to vector<128x128xi32>
    %broadcast_in_dim3A_30 = vector.broadcast %jit3A_28 : i32 to vector<128x128xi32>
    %select_n3A_31 = arith.select %lt3A_26, %broadcast_in_dim3A_29, %broadcast_in_dim3A_30 : vector<128x128xi1>, vector<128x128xi32>
    %reduce_sum3A_32 = arith.constant dense<0> : vector<128xi32>
    %reduce_sum3A_33 = vector.multi_reduction <add>, %select_n3A_31, %reduce_sum3A_32 [0] : vector<128x128xi32> to vector<128xi32>
    %broadcast_in_dim3A_34 = vector.shape_cast %reduce_sum3A_33 : vector<128xi32> to vector<1x128xi32>
    %eq3A_35 = vector.broadcast %iota3A_23 : vector<128x1xi32> to vector<128x128xi32>
    %eq3A_36 = vector.broadcast %broadcast_in_dim3A_34 : vector<1x128xi32> to vector<128x128xi32>
    %eq3A_37 = arith.cmpi eq, %eq3A_35, %eq3A_36 : vector<128x128xi32>
    %jit3A_38 = arith.constant 0 : i32
    %broadcast_in_dim3A_39 = vector.shape_cast %broadcast_in_dim3A_21 : vector<128x1xi32> to vector<128x1xi32>
    %broadcast_in_dim3A_40 = vector.broadcast %broadcast_in_dim3A_39 : vector<128x1xi32> to vector<128x128xi32>
    %broadcast_in_dim3A_41 = vector.broadcast %jit3A_38 : i32 to vector<128x128xi32>
    %select_n3A_42 = arith.select %eq3A_37, %broadcast_in_dim3A_40, %broadcast_in_dim3A_41 : vector<128x128xi1>, vector<128x128xi32>
    %reduce_sum3A_43 = arith.constant dense<0> : vector<128xi32>
    %reduce_sum3A_44 = vector.multi_reduction <add>, %select_n3A_42, %reduce_sum3A_43 [0] : vector<128x128xi32> to vector<128xi32>
    %broadcast_in_dim3A_45 = vector.shape_cast %reduce_sum3A_44 : vector<128xi32> to vector<1x128xi32>
    %get3A_46 = arith.constant 0 : index
    %get3A_47 = arith.constant 0 : index
    %get3A_48 = arith.constant 0 : index
    %get3A_49 = vector.load %arg3[%get3A_46, %get3A_47, %get3A_48] : memref<1x1000x4xf32, #tpu.memory_space<vmem>>, vector<1x1000x1xf32>
    %get3A_50 = vector.shape_cast %get3A_49 : vector<1x1000x1xf32> to vector<1000x1xf32>
    %get3A_51 = arith.constant 0 : index
    %get3A_52 = arith.constant 0 : index
    %get3A_53 = arith.constant 1 : index
    %get3A_54 = vector.load %arg3[%get3A_51, %get3A_52, %get3A_53] : memref<1x1000x4xf32, #tpu.memory_space<vmem>>, vector<1x1000x1xf32>
    %get3A_55 = vector.shape_cast %get3A_54 : vector<1x1000x1xf32> to vector<1000x1xf32>
    %get3A_56 = arith.constant 0 : index
    %get3A_57 = arith.constant 0 : index
    %get3A_58 = arith.constant 2 : index
    %get3A_59 = vector.load %arg3[%get3A_56, %get3A_57, %get3A_58] : memref<1x1000x4xf32, #tpu.memory_space<vmem>>, vector<1x1000x1xf32>
    %get3A_60 = vector.shape_cast %get3A_59 : vector<1x1000x1xf32> to vector<1000x1xf32>
    %get3A_61 = arith.constant 0 : index
    %get3A_62 = arith.constant 0 : index
    %get3A_63 = arith.constant 3 : index
    %get3A_64 = vector.load %arg3[%get3A_61, %get3A_62, %get3A_63] : memref<1x1000x4xf32, #tpu.memory_space<vmem>>, vector<1x1000x1xf32>
    %get3A_65 = vector.shape_cast %get3A_64 : vector<1x1000x1xf32> to vector<1000x1xf32>
    %eq3A_66 = vector.broadcast %get3A_3 : vector<1x128xi32> to vector<1000x128xi32>
    %eq3A_67 = arith.cmpi eq, %iota3A_24, %eq3A_66 : vector<1000x128xi32>
    %jit3A_68 = arith.constant 0.000000e+00 : f32
    %broadcast_in_dim3A_69 = vector.shape_cast %get3A_50 : vector<1000x1xf32> to vector<1000x1xf32>
    %broadcast_in_dim3A_70 = vector.broadcast %broadcast_in_dim3A_69 : vector<1000x1xf32> to vector<1000x128xf32>
    %broadcast_in_dim3A_71 = vector.broadcast %jit3A_68 : f32 to vector<1000x128xf32>
    %select_n3A_72 = arith.select %eq3A_67, %broadcast_in_dim3A_70, %broadcast_in_dim3A_71 : vector<1000x128xi1>, vector<1000x128xf32>
    %reduce_sum3A_73 = arith.constant dense<0.000000e+00> : vector<128xf32>
    %reduce_sum3A_74 = vector.multi_reduction <add>, %select_n3A_72, %reduce_sum3A_73 [0] : vector<1000x128xf32> to vector<128xf32>
    %broadcast_in_dim3A_75 = vector.shape_cast %reduce_sum3A_74 : vector<128xf32> to vector<1x128xf32>
    %jit3A_76 = arith.constant 0.000000e+00 : f32
    %broadcast_in_dim3A_77 = vector.shape_cast %get3A_55 : vector<1000x1xf32> to vector<1000x1xf32>
    %broadcast_in_dim3A_78 = vector.broadcast %broadcast_in_dim3A_77 : vector<1000x1xf32> to vector<1000x128xf32>
    %broadcast_in_dim3A_79 = vector.broadcast %jit3A_76 : f32 to vector<1000x128xf32>
    %select_n3A_80 = arith.select %eq3A_67, %broadcast_in_dim3A_78, %broadcast_in_dim3A_79 : vector<1000x128xi1>, vector<1000x128xf32>
    %reduce_sum3A_81 = arith.constant dense<0.000000e+00> : vector<128xf32>
    %reduce_sum3A_82 = vector.multi_reduction <add>, %select_n3A_80, %reduce_sum3A_81 [0] : vector<1000x128xf32> to vector<128xf32>
    %broadcast_in_dim3A_83 = vector.shape_cast %reduce_sum3A_82 : vector<128xf32> to vector<1x128xf32>
    %jit3A_84 = arith.constant 0.000000e+00 : f32
    %broadcast_in_dim3A_85 = vector.shape_cast %get3A_60 : vector<1000x1xf32> to vector<1000x1xf32>
    %broadcast_in_dim3A_86 = vector.broadcast %broadcast_in_dim3A_85 : vector<1000x1xf32> to vector<1000x128xf32>
    %broadcast_in_dim3A_87 = vector.broadcast %jit3A_84 : f32 to vector<1000x128xf32>
    %select_n3A_88 = arith.select %eq3A_67, %broadcast_in_dim3A_86, %broadcast_in_dim3A_87 : vector<1000x128xi1>, vector<1000x128xf32>
    %reduce_sum3A_89 = arith.constant dense<0.000000e+00> : vector<128xf32>
    %reduce_sum3A_90 = vector.multi_reduction <add>, %select_n3A_88, %reduce_sum3A_89 [0] : vector<1000x128xf32> to vector<128xf32>
    %broadcast_in_dim3A_91 = vector.shape_cast %reduce_sum3A_90 : vector<128xf32> to vector<1x128xf32>
    %jit3A_92 = arith.constant 0.000000e+00 : f32
    %broadcast_in_dim3A_93 = vector.shape_cast %get3A_65 : vector<1000x1xf32> to vector<1000x1xf32>
    %broadcast_in_dim3A_94 = vector.broadcast %broadcast_in_dim3A_93 : vector<1000x1xf32> to vector<1000x128xf32>
    %broadcast_in_dim3A_95 = vector.broadcast %jit3A_92 : f32 to vector<1000x128xf32>
    %select_n3A_96 = arith.select %eq3A_67, %broadcast_in_dim3A_94, %broadcast_in_dim3A_95 : vector<1000x128xi1>, vector<1000x128xf32>
    %reduce_sum3A_97 = arith.constant dense<0.000000e+00> : vector<128xf32>
    %reduce_sum3A_98 = vector.multi_reduction <add>, %select_n3A_96, %reduce_sum3A_97 [0] : vector<1000x128xf32> to vector<128xf32>
    %broadcast_in_dim3A_99 = vector.shape_cast %reduce_sum3A_98 : vector<128xf32> to vector<1x128xf32>
    %jit3A_100 = arith.constant 1.000000e+00 : f32
    %jit3A_101 = arith.constant 0.000000e+00 : f32
    %broadcast_in_dim3A_102 = vector.broadcast %jit3A_100 : f32 to vector<1000x128xf32>
    %broadcast_in_dim3A_103 = vector.broadcast %jit3A_101 : f32 to vector<1000x128xf32>
    %select_n3A_104 = arith.select %eq3A_67, %broadcast_in_dim3A_102, %broadcast_in_dim3A_103 : vector<1000x128xi1>, vector<1000x128xf32>
    %reduce_sum3A_105 = arith.constant dense<0.000000e+00> : vector<1000xf32>
    %reduce_sum3A_106 = vector.multi_reduction <add>, %select_n3A_104, %reduce_sum3A_105 [1] : vector<1000x128xf32> to vector<1000xf32>
    %broadcast_in_dim3A_107 = vector.shape_cast %reduce_sum3A_106 : vector<1000xf32> to vector<1000x1xf32>
    %get3A_108 = arith.constant 0 : index
    %get3A_109 = arith.constant 0 : index
    %get3A_110 = arith.constant 0 : index
    %get3A_111 = vector.load %arg4[%get3A_108, %get3A_109, %get3A_110] : memref<1x128x4xf32, #tpu.memory_space<vmem>>, vector<1x128x1xf32>
    %get3A_112 = vector.shape_cast %get3A_111 : vector<1x128x1xf32> to vector<128x1xf32>
    %get3A_113 = arith.constant 0 : index
    %get3A_114 = arith.constant 0 : index
    %get3A_115 = arith.constant 1 : index
    %get3A_116 = vector.load %arg4[%get3A_113, %get3A_114, %get3A_115] : memref<1x128x4xf32, #tpu.memory_space<vmem>>, vector<1x128x1xf32>
    %get3A_117 = vector.shape_cast %get3A_116 : vector<1x128x1xf32> to vector<128x1xf32>
    %get3A_118 = arith.constant 0 : index
    %get3A_119 = arith.constant 0 : index
    %get3A_120 = arith.constant 2 : index
    %get3A_121 = vector.load %arg4[%get3A_118, %get3A_119, %get3A_120] : memref<1x128x4xf32, #tpu.memory_space<vmem>>, vector<1x128x1xf32>
    %get3A_122 = vector.shape_cast %get3A_121 : vector<1x128x1xf32> to vector<128x1xf32>
    %get3A_123 = arith.constant 0 : index
    %get3A_124 = arith.constant 0 : index
    %get3A_125 = arith.constant 3 : index
    %get3A_126 = vector.load %arg4[%get3A_123, %get3A_124, %get3A_125] : memref<1x128x4xf32, #tpu.memory_space<vmem>>, vector<1x128x1xf32>
    %get3A_127 = vector.shape_cast %get3A_126 : vector<1x128x1xf32> to vector<128x1xf32>
    %eq3A_128 = vector.broadcast %iota3A_23 : vector<128x1xi32> to vector<128x128xi32>
    %eq3A_129 = vector.broadcast %broadcast_in_dim3A_45 : vector<1x128xi32> to vector<128x128xi32>
    %eq3A_130 = arith.cmpi eq, %eq3A_128, %eq3A_129 : vector<128x128xi32>
    %jit3A_131 = arith.constant 0.000000e+00 : f32
    %broadcast_in_dim3A_132 = vector.shape_cast %get3A_112 : vector<128x1xf32> to vector<128x1xf32>
    %broadcast_in_dim3A_133 = vector.broadcast %broadcast_in_dim3A_132 : vector<128x1xf32> to vector<128x128xf32>
    %broadcast_in_dim3A_134 = vector.broadcast %jit3A_131 : f32 to vector<128x128xf32>
    %select_n3A_135 = arith.select %eq3A_130, %broadcast_in_dim3A_133, %broadcast_in_dim3A_134 : vector<128x128xi1>, vector<128x128xf32>
    %reduce_sum3A_136 = arith.constant dense<0.000000e+00> : vector<128xf32>
    %reduce_sum3A_137 = vector.multi_reduction <add>, %select_n3A_135, %reduce_sum3A_136 [0] : vector<128x128xf32> to vector<128xf32>
    %broadcast_in_dim3A_138 = vector.shape_cast %reduce_sum3A_137 : vector<128xf32> to vector<1x128xf32>
    %jit3A_139 = arith.constant 0.000000e+00 : f32
    %broadcast_in_dim3A_140 = vector.shape_cast %get3A_117 : vector<128x1xf32> to vector<128x1xf32>
    %broadcast_in_dim3A_141 = vector.broadcast %broadcast_in_dim3A_140 : vector<128x1xf32> to vector<128x128xf32>
    %broadcast_in_dim3A_142 = vector.broadcast %jit3A_139 : f32 to vector<128x128xf32>
    %select_n3A_143 = arith.select %eq3A_130, %broadcast_in_dim3A_141, %broadcast_in_dim3A_142 : vector<128x128xi1>, vector<128x128xf32>
    %reduce_sum3A_144 = arith.constant dense<0.000000e+00> : vector<128xf32>
    %reduce_sum3A_145 = vector.multi_reduction <add>, %select_n3A_143, %reduce_sum3A_144 [0] : vector<128x128xf32> to vector<128xf32>
    %broadcast_in_dim3A_146 = vector.shape_cast %reduce_sum3A_145 : vector<128xf32> to vector<1x128xf32>
    %jit3A_147 = arith.constant 0.000000e+00 : f32
    %broadcast_in_dim3A_148 = vector.shape_cast %get3A_122 : vector<128x1xf32> to vector<128x1xf32>
    %broadcast_in_dim3A_149 = vector.broadcast %broadcast_in_dim3A_148 : vector<128x1xf32> to vector<128x128xf32>
    %broadcast_in_dim3A_150 = vector.broadcast %jit3A_147 : f32 to vector<128x128xf32>
    %select_n3A_151 = arith.select %eq3A_130, %broadcast_in_dim3A_149, %broadcast_in_dim3A_150 : vector<128x128xi1>, vector<128x128xf32>
    %reduce_sum3A_152 = arith.constant dense<0.000000e+00> : vector<128xf32>
    %reduce_sum3A_153 = vector.multi_reduction <add>, %select_n3A_151, %reduce_sum3A_152 [0] : vector<128x128xf32> to vector<128xf32>
    %broadcast_in_dim3A_154 = vector.shape_cast %reduce_sum3A_153 : vector<128xf32> to vector<1x128xf32>
    %jit3A_155 = arith.constant 0.000000e+00 : f32
    %broadcast_in_dim3A_156 = vector.shape_cast %get3A_127 : vector<128x1xf32> to vector<128x1xf32>
    %broadcast_in_dim3A_157 = vector.broadcast %broadcast_in_dim3A_156 : vector<128x1xf32> to vector<128x128xf32>
    %broadcast_in_dim3A_158 = vector.broadcast %jit3A_155 : f32 to vector<128x128xf32>
    %select_n3A_159 = arith.select %eq3A_130, %broadcast_in_dim3A_157, %broadcast_in_dim3A_158 : vector<128x128xi1>, vector<128x128xf32>
    %reduce_sum3A_160 = arith.constant dense<0.000000e+00> : vector<128xf32>
    %reduce_sum3A_161 = vector.multi_reduction <add>, %select_n3A_159, %reduce_sum3A_160 [0] : vector<128x128xf32> to vector<128xf32>
    %broadcast_in_dim3A_162 = vector.shape_cast %reduce_sum3A_161 : vector<128xf32> to vector<1x128xf32>
    %max3A = arith.maximumf %broadcast_in_dim3A_75, %broadcast_in_dim3A_138 : vector<1x128xf32>
    %max3A_163 = arith.maximumf %broadcast_in_dim3A_83, %broadcast_in_dim3A_146 : vector<1x128xf32>
    %min3A = arith.minimumf %broadcast_in_dim3A_91, %broadcast_in_dim3A_154 : vector<1x128xf32>
    %min3A_164 = arith.minimumf %broadcast_in_dim3A_99, %broadcast_in_dim3A_162 : vector<1x128xf32>
    %gt3A = arith.cmpf ogt, %min3A_164, %max3A_163 : vector<1x128xf32>
    %gt3A_165 = arith.cmpf ogt, %min3A, %max3A : vector<1x128xf32>
    %and3A = arith.andi %gt3A, %gt3A_165 : vector<1x128xi1>
    %sub3A = arith.subf %min3A, %max3A : vector<1x128xf32>
    %sub3A_166 = arith.subf %min3A_164, %max3A_163 : vector<1x128xf32>
    %mul3A = arith.mulf %sub3A, %sub3A_166 : vector<1x128xf32>
    %jit3A_167 = arith.constant 0.000000e+00 : f32
    %broadcast_in_dim3A_168 = vector.broadcast %jit3A_167 : f32 to vector<1x128xf32>
    %select_n3A_169 = arith.select %and3A, %mul3A, %broadcast_in_dim3A_168 : vector<1x128xi1>, vector<1x128xf32>
    %sub3A_170 = arith.subf %broadcast_in_dim3A_91, %broadcast_in_dim3A_75 : vector<1x128xf32>
    %sub3A_171 = arith.subf %broadcast_in_dim3A_99, %broadcast_in_dim3A_83 : vector<1x128xf32>
    %mul3A_172 = arith.mulf %sub3A_170, %sub3A_171 : vector<1x128xf32>
    %sub3A_173 = arith.subf %broadcast_in_dim3A_154, %broadcast_in_dim3A_138 : vector<1x128xf32>
    %sub3A_174 = arith.subf %broadcast_in_dim3A_162, %broadcast_in_dim3A_146 : vector<1x128xf32>
    %mul3A_175 = arith.mulf %sub3A_173, %sub3A_174 : vector<1x128xf32>
    %add3A = arith.addf %mul3A_172, %mul3A_175 : vector<1x128xf32>
    %sub3A_176 = arith.subf %add3A, %select_n3A_169 : vector<1x128xf32>
    %add3A_177 = arith.constant 1.000000e-07 : f32
    %add3A_178 = vector.broadcast %add3A_177 : f32 to vector<1x128xf32>
    %add3A_179 = arith.addf %sub3A_176, %add3A_178 : vector<1x128xf32>
    %div3A = arith.divf %select_n3A_169, %add3A_179 : vector<1x128xf32>
    %min3A_180 = arith.minimumf %broadcast_in_dim3A_75, %broadcast_in_dim3A_138 : vector<1x128xf32>
    %min3A_181 = arith.minimumf %broadcast_in_dim3A_83, %broadcast_in_dim3A_146 : vector<1x128xf32>
    %max3A_182 = arith.maximumf %broadcast_in_dim3A_91, %broadcast_in_dim3A_154 : vector<1x128xf32>
    %max3A_183 = arith.maximumf %broadcast_in_dim3A_99, %broadcast_in_dim3A_162 : vector<1x128xf32>
    %sub3A_184 = arith.subf %max3A_182, %min3A_180 : vector<1x128xf32>
    %sub3A_185 = arith.subf %max3A_183, %min3A_181 : vector<1x128xf32>
    %mul3A_186 = arith.mulf %sub3A_184, %sub3A_185 : vector<1x128xf32>
    %sub3A_187 = arith.subf %mul3A_186, %sub3A_176 : vector<1x128xf32>
    %add3A_188 = arith.constant 1.000000e-07 : f32
    %add3A_189 = vector.broadcast %add3A_188 : f32 to vector<1x128xf32>
    %add3A_190 = arith.addf %mul3A_186, %add3A_189 : vector<1x128xf32>
    %div3A_191 = arith.divf %sub3A_187, %add3A_190 : vector<1x128xf32>
    %sub3A_192 = arith.subf %div3A, %div3A_191 : vector<1x128xf32>
    %sub3A_193 = arith.constant 1.000000e+00 : f32
    %sub3A_194 = vector.broadcast %sub3A_193 : f32 to vector<1x128xf32>
    %sub3A_195 = arith.subf %sub3A_194, %sub3A_192 : vector<1x128xf32>
    %lt3A_196 = arith.constant 100 : i32
    %lt3A_197 = vector.broadcast %lt3A_196 : i32 to vector<1x128xi32>
    %lt3A_198 = arith.cmpi slt, %iota3A_22, %lt3A_197 : vector<1x128xi32>
    %jit3A_199 = arith.constant 0.000000e+00 : f32
    %broadcast_in_dim3A_200 = vector.broadcast %jit3A_199 : f32 to vector<1x128xf32>
    %select_n3A_201 = arith.select %lt3A_198, %sub3A_195, %broadcast_in_dim3A_200 : vector<1x128xi1>, vector<1x128xf32>
    %reduce_sum3A_202 = vector.shape_cast %select_n3A_201 : vector<1x128xf32> to vector<1x1x128xf32>
    %reduce_sum3A_203 = arith.constant dense<0.000000e+00> : vector<1xf32>
    %reduce_sum3A_204 = vector.multi_reduction <add>, %reduce_sum3A_202, %reduce_sum3A_203 [1, 2] : vector<1x1x128xf32> to vector<1xf32>
    %reduce_sum3A_205 = vector.shape_cast %reduce_sum3A_204 : vector<1xf32> to vector<1x1x1xf32>
    %reduce_sum3A_206 = vector.extract %reduce_sum3A_205[0, 0, 0] : f32 from vector<1x1x1xf32>
    %div3A_207 = arith.constant 1.000000e+02 : f32
    %div3A_208 = arith.divf %reduce_sum3A_206, %div3A_207 : f32
    %broadcast_in_dim3A_209 = arith.constant 0.000000e+00 : f32
    %broadcast_in_dim3A_210 = vector.broadcast %broadcast_in_dim3A_209 : f32 to vector<1000x1xf32>
    %max3A_211 = arith.maximumf %get3A_50, %broadcast_in_dim3A_210 : vector<1000x1xf32>
    %max3A_212 = arith.maximumf %get3A_55, %broadcast_in_dim3A_210 : vector<1000x1xf32>
    %min3A_213 = arith.minimumf %get3A_60, %broadcast_in_dim3A_210 : vector<1000x1xf32>
    %min3A_214 = arith.minimumf %get3A_65, %broadcast_in_dim3A_210 : vector<1000x1xf32>
    %gt3A_215 = arith.cmpf ogt, %min3A_214, %max3A_212 : vector<1000x1xf32>
    %gt3A_216 = arith.cmpf ogt, %min3A_213, %max3A_211 : vector<1000x1xf32>
    %and3A_217 = arith.andi %gt3A_215, %gt3A_216 : vector<1000x1xi1>
    %sub3A_218 = arith.subf %min3A_213, %max3A_211 : vector<1000x1xf32>
    %sub3A_219 = arith.subf %min3A_214, %max3A_212 : vector<1000x1xf32>
    %mul3A_220 = arith.mulf %sub3A_218, %sub3A_219 : vector<1000x1xf32>
    %jit3A_221 = arith.constant 0.000000e+00 : f32
    %broadcast_in_dim3A_222 = vector.broadcast %jit3A_221 : f32 to vector<1000x1xf32>
    %select_n3A_223 = arith.select %and3A_217, %mul3A_220, %broadcast_in_dim3A_222 : vector<1000x1xi1>, vector<1000x1xf32>
    %sub3A_224 = arith.subf %get3A_60, %get3A_50 : vector<1000x1xf32>
    %sub3A_225 = arith.subf %get3A_65, %get3A_55 : vector<1000x1xf32>
    %mul3A_226 = arith.mulf %sub3A_224, %sub3A_225 : vector<1000x1xf32>
    %sub3A_227 = arith.subf %broadcast_in_dim3A_210, %broadcast_in_dim3A_210 : vector<1000x1xf32>
    %sub3A_228 = arith.subf %broadcast_in_dim3A_210, %broadcast_in_dim3A_210 : vector<1000x1xf32>
    %mul3A_229 = arith.mulf %sub3A_227, %sub3A_228 : vector<1000x1xf32>
    %add3A_230 = arith.addf %mul3A_226, %mul3A_229 : vector<1000x1xf32>
    %sub3A_231 = arith.subf %add3A_230, %select_n3A_223 : vector<1000x1xf32>
    %add3A_232 = arith.constant 1.000000e-07 : f32
    %add3A_233 = vector.broadcast %add3A_232 : f32 to vector<1000x1xf32>
    %add3A_234 = arith.addf %sub3A_231, %add3A_233 : vector<1000x1xf32>
    %div3A_235 = arith.divf %select_n3A_223, %add3A_234 : vector<1000x1xf32>
    %min3A_236 = arith.minimumf %get3A_50, %broadcast_in_dim3A_210 : vector<1000x1xf32>
    %min3A_237 = arith.minimumf %get3A_55, %broadcast_in_dim3A_210 : vector<1000x1xf32>
    %max3A_238 = arith.maximumf %get3A_60, %broadcast_in_dim3A_210 : vector<1000x1xf32>
    %max3A_239 = arith.maximumf %get3A_65, %broadcast_in_dim3A_210 : vector<1000x1xf32>
    %sub3A_240 = arith.subf %max3A_238, %min3A_236 : vector<1000x1xf32>
    %sub3A_241 = arith.subf %max3A_239, %min3A_237 : vector<1000x1xf32>
    %mul3A_242 = arith.mulf %sub3A_240, %sub3A_241 : vector<1000x1xf32>
    %sub3A_243 = arith.subf %mul3A_242, %sub3A_231 : vector<1000x1xf32>
    %add3A_244 = arith.constant 1.000000e-07 : f32
    %add3A_245 = vector.broadcast %add3A_244 : f32 to vector<1000x1xf32>
    %add3A_246 = arith.addf %mul3A_242, %add3A_245 : vector<1000x1xf32>
    %div3A_247 = arith.divf %sub3A_243, %add3A_246 : vector<1000x1xf32>
    %sub3A_248 = arith.subf %div3A_235, %div3A_247 : vector<1000x1xf32>
    %sub3A_249 = arith.constant 1.000000e+00 : f32
    %sub3A_250 = vector.broadcast %sub3A_249 : f32 to vector<1000x1xf32>
    %sub3A_251 = arith.subf %sub3A_250, %sub3A_248 : vector<1000x1xf32>
    %sub3A_252 = arith.constant 1.000000e+00 : f32
    %sub3A_253 = vector.broadcast %sub3A_252 : f32 to vector<1000x1xf32>
    %sub3A_254 = arith.subf %sub3A_253, %broadcast_in_dim3A_107 : vector<1000x1xf32>
    %mul3A_255 = arith.mulf %sub3A_251, %sub3A_254 : vector<1000x1xf32>
    %reduce_sum3A_256 = vector.shape_cast %mul3A_255 : vector<1000x1xf32> to vector<1x1000x1xf32>
    %reduce_sum3A_257 = arith.constant dense<0.000000e+00> : vector<1xf32>
    %reduce_sum3A_258 = vector.multi_reduction <add>, %reduce_sum3A_256, %reduce_sum3A_257 [1, 2] : vector<1x1000x1xf32> to vector<1xf32>
    %reduce_sum3A_259 = vector.shape_cast %reduce_sum3A_258 : vector<1xf32> to vector<1x1x1xf32>
    %reduce_sum3A_260 = vector.extract %reduce_sum3A_259[0, 0, 0] : f32 from vector<1x1x1xf32>
    %div3A_261 = arith.constant 9.000000e+02 : f32
    %div3A_262 = arith.divf %reduce_sum3A_260, %div3A_261 : f32
    %eq3A_263 = arith.constant 0 : i32
    %eq3A_264 = arith.cmpi eq, %arg0, %eq3A_263 : i32
    %convert_element_type3A = arith.extui %eq3A_264 : i1 to i32
    %cond3A = arith.constant 0 : i32
    %cond3A_265 = arith.cmpi ne, %convert_element_type3A, %cond3A : i32
    scf.if %cond3A_265 {
      %broadcast_in_dim3A_279 = arith.constant 0.000000e+00 : f32
      %broadcast_in_dim3A_280 = vector.broadcast %broadcast_in_dim3A_279 : f32 to vector<1x1xf32>
      %swap3A_281 = arith.constant 0 : index
      %swap3A_282 = arith.constant 0 : index
      %swap3A_283 = vector.load %arg5[%swap3A_281, %swap3A_282] : memref<1x1xf32, #tpu.memory_space<vmem>>, vector<1x1xf32>
      tpu.vector_store %arg5[%swap3A_281, %swap3A_282], %broadcast_in_dim3A_280 {strides = array<i32>} : memref<1x1xf32, #tpu.memory_space<vmem>>, vector<1x1xf32>,
    } else {
    }
    %get3A_266 = arith.constant 0 : index
    %get3A_267 = arith.constant 0 : index
    %get3A_268 = vector.load %arg5[%get3A_266, %get3A_267] : memref<1x1xf32, #tpu.memory_space<vmem>>, vector<1x1xf32>
    %add3A_269 = arith.addf %div3A_208, %div3A_262 : f32
    %add3A_270 = vector.broadcast %add3A_269 : f32 to vector<1x1xf32>
    %add3A_271 = arith.addf %get3A_268, %add3A_270 : vector<1x1xf32>
    %swap3A = arith.constant 0 : index
    %swap3A_272 = arith.constant 0 : index
    %swap3A_273 = vector.load %arg5[%swap3A, %swap3A_272] : memref<1x1xf32, #tpu.memory_space<vmem>>, vector<1x1xf32>
    tpu.vector_store %arg5[%swap3A, %swap3A_272], %add3A_271 {strides = array<i32>} : memref<1x1xf32, #tpu.memory_space<vmem>>, vector<1x1xf32>,
    %eq3A_274 = arith.constant 7 : i32
    %eq3A_275 = arith.cmpi eq, %arg0, %eq3A_274 : i32
    %convert_element_type3A_276 = arith.extui %eq3A_275 : i1 to i32
    %cond3A_277 = arith.constant 0 : i32
    %cond3A_278 = arith.cmpi ne, %convert_element_type3A_276, %cond3A_277 : i32
    scf.if %cond3A_278 {
      %get3A_279 = arith.constant 0 : index
      %get3A_280 = arith.constant 0 : index
      %get3A_281 = vector.load %arg5[%get3A_279, %get3A_280] : memref<1x1xf32, #tpu.memory_space<vmem>>, vector<1x1xf32>
      %div3A_282 = arith.constant 1.600000e+01 : f32
      %div3A_283 = vector.broadcast %div3A_282 : f32 to vector<1x1xf32>
      %div3A_284 = arith.divf %get3A_281, %div3A_283 : vector<1x1xf32>
      %swap3A_285 = arith.constant 0 : index
      %swap3A_286 = arith.constant 0 : index
      %swap3A_287 = vector.load %arg5[%swap3A_285, %swap3A_286] : memref<1x1xf32, #tpu.memory_space<vmem>>, vector<1x1xf32>
      tpu.vector_store %arg5[%swap3A_285, %swap3A_286], %div3A_284 {strides = array<i32>} : memref<1x1xf32, #tpu.memory_space<vmem>>, vector<1x1xf32>,
    } else {
    }
    return
  }
  func.func @transform_0(%arg0: i32) -> (i32, i32, i32) {
    %c0_i32 = arith.constant 0 : i32
    %c0_i32_0 = arith.constant 0 : i32
    %c0_i32_1 = arith.constant 0 : i32
    return %arg0, %c0_i32, %c0_i32_0 : i32, i32, i32
  }
  func.func @transform_1(%arg0: i32) -> (i32, i32, i32) {
    %c0_i32 = arith.constant 0 : i32
    %c0_i32_0 = arith.constant 0 : i32
    %c0_i32_1 = arith.constant 0 : i32
    return %arg0, %c0_i32, %c0_i32_0 : i32, i32, i32
  }
  func.func @transform_2(%arg0: i32) -> (i32, i32, i32) {
    %c0_i32 = arith.constant 0 : i32
    %c0_i32_0 = arith.constant 0 : i32
    %c0_i32_1 = arith.constant 0 : i32
    return %arg0, %c0_i32, %c0_i32_0 : i32, i32, i32
  }
  func.func @transform_3(%arg0: i32) -> (i32, i32, i32) {
    %c0_i32 = arith.constant 0 : i32
    %c0_i32_0 = arith.constant 0 : i32
    %c0_i32_1 = arith.constant 0 : i32
    return %arg0, %c0_i32, %c0_i32_0 : i32, i32, i32
  }
  func.func @transform_4(%arg0: i32) -> (i32, i32) {
    %c0_i32 = arith.constant 0 : i32
    %c0_i32_0 = arith.constant 0 : i32
    %c0_i32_1 = arith.constant 0 : i32
    return %c0_i32, %c0_i32_0 : i32, i32
  }
}

</mosaic_0001>

<sc_bundles>
// kernel: kernel.5.cloned.1.call-start
scs
__scs_entry_jumppad:
0x0: {  	(pc) =	sbr.rel $0x88, $3  }
0x1: {  	(tag) =	ssettag $0x0;
	lr =	simm.s32 $0x1  }
0x2: {  	[smem:$0x3F9F] =	sst lr;
	_ =	strace $0xD0000000  }
0x3: {  	_ = 	snop  }
0x4: {  	_ = 	snop  }
0x5: {  	_ = 	snop  }
0x6: {  	_ = 	snop  }
0x7: {  	_ = 	snop  }
__scs_overlays_trampoline_lowered:
0x8: {  	[smem:$0x3FAE] =	sst s0  }
0x9: {  	[smem:$0x3FAF] =	sst s1  }
0xa: {  	[smem:$0x3FB0] =	sst s2  }
0xb: {  	[smem:$0x3FB1] =	sst s3  }
0xc: {  	[smem:$0x3FB2] =	sst s4  }
0xd: {  	[smem:$0x3FB3] =	sst s5  }
0xe: {  	[smem:$0x3FB4] =	sst s6  }
0xf: {  	[smem:$0x3FB5] =	sst s7  }
0x10: {  	[smem:$0x3FB6] =	sst s8  }
0x11: {  	[smem:$0x3FB7] =	sst s9;
	s0 =	simm.s32 @!p0 $0x0  }
0x12: {  	s1 =	sld [smem:$0x3F9D];
	s0 =	simm.s32 @p0 $0x1  }
0x13: {  	[smem:$0x3FB8] =	sst s0;
	s0 =	simm.s32 @!p1 $0x0  }
0x14: {  	s2 =	sld [smem:$0x3F9C];
	s0 =	simm.s32 @p1 $0x1  }
0x15: {  	[smem:$0x3FB9] =	sst s0;
	s0 =	simm.s32 @!p2 $0x0  }
0x16: {  	s3 =	sld [smem:$0x3FDB];
	s0 =	simm.s32 @p2 $0x1  }
0x17: {  	s4 =	simm.s32 $0x1BF5;
	[smem:$0x3FBB] =	sst s0  }
0x18: {  	s0 =	sld [smem:$0x3F9E];
	_ =	swait.ge [sflag:s4], $0x0  }
0x19: {  	s7 =	sld [smem:$0x3F9F]  }
0x1a: {  	s8 =	sadd.s32 $0xFFFFE003, lr  }
0x1b: {  	s9 =	sadd.s32 $0xFFFFFEF7, lr;
	s5 =	simm.s32 $0xFFFFFFFF;
	p2 =	slt.u32 s8, $0xFFFFF086  }
0x1c: {  	p1 =	slt.u32 s9, $0xF7A;
	s5 =	simm.s32 @!p2 $0x0  }
0x1d: {  	s5 =	simm.s32 @p1 $0x1;
	p0 =	seq.s32 s7, s2  }
0x1e: {  	s7 =	smul.u32 @!p0 $0xF7A, s2;
	p2 =	seq.s32 @!p0 s5, $0x0  }
0x1f: {  	s9 =	smul.u32 $0xF7A, s1;
	s8 =	simm.s32 @!p0 $0x1BF5;
	p2 =	por !p2, p0  }
0x20: {  	[sflag:s8] =	ssyncset.s32 @!p0 $0xFFFFF086;
	s6 =	sadd.s32 @!p0 s3, s7;
	s7 =	simm.s32 @!p0 $0x108  }
0x21: {  	s3 =	sadd.s32 s3, s9;
	s6 =	sadd.s32 @!p0 $0x88, s6;
	s7 =	simm.s32 @p2 $0x1082  }
0x22: {  	[simem:s7], [sflag:s8] =	dma.local @!p0 [hbm:s6], $0xF7A  }
0x23: {  	s9 =	sor.u32 $0xD0000000, s2;
	s6 =	simm.s32 $0x108;
	_ =	swait.ge @!p0 [sflag:s8], $0x0  }
0x24: {  	s3 =	sadd.s32 $0x88, s3;
	s6 =	simm.s32 @!p1 $0x1082;
	[sflag:s4] =	ssyncset.s32 $0xFFFFF086  }
0x25: {  	[simem:s6], [sflag:s4] =	dma.local [hbm:s3], $0xF7A  }
0x26: {  	[smem:$0x3F9F] =	sst s1;
	(tag) =	ssettag s2;
	_ =	strace s9  }
0x27: {  	s1 =	sld [smem:$0x3FAF]  }
0x28: {  	s2 =	sld [smem:$0x3FB0]  }
0x29: {  	s4 =	sld [smem:$0x3FB2]  }
0x2a: {  	p0 =	seq.s32 s5, $0x0;
	s5 =	sld [smem:$0x3FB3]  }
0x2b: {  	s6 =	sld [smem:$0x3FB4]  }
0x2c: {  	s7 =	sld [smem:$0x3FB5]  }
0x2d: {  	s3 =	simm.s32 $0x108;
	s8 =	sld [smem:$0x3FB6]  }
0x2e: {  	s3 =	simm.s32 @!p0 $0x1082;
	s9 =	sld [smem:$0x3FB7]  }
0x2f: {  	lr =	sadd.s32 s0, s3;
	s0 =	sld [smem:$0x3FAE]  }
0x30: {  	s3 =	sld [smem:$0x3FB1]  }
0x31: {  	[smem:$0x3FBA] =	sst s10  }
0x32: {  	s10 =	sld [smem:$0x3FB8];
	_ =	sdelay $0x3  }
0x33: {  	p0 =	seq.s32 s10, $0x1;
	s10 =	sld [smem:$0x3FBA];
	_ =	sdelay $0x3  }
0x34: {  	[smem:$0x3FBA] =	sst s10  }
0x35: {  	s10 =	sld [smem:$0x3FB9];
	_ =	sdelay $0x3  }
0x36: {  	p1 =	seq.s32 s10, $0x1;
	s10 =	sld [smem:$0x3FBA];
	_ =	sdelay $0x3  }
0x37: {  	[smem:$0x3FBA] =	sst s10  }
0x38: {  	s10 =	sld [smem:$0x3FBB]  }
0x39: {  	_ = 	snop;
	(pc) =	sbr.ind lr, $3  }
0x3a: {  	_ = 	snop  }
0x3b: {  	_ = 	snop  }
0x3c: {  	p2 =	seq.s32 s10, $0x1;
	s10 =	sld [smem:$0x3FBA]  }
0x3d: {  	_ =	shalt  }
0x3e: {  	_ =	shalt  }
0x3f: {  	_ =	shalt  }
0x40: {  	_ =	shalt  }
0x41: {  	_ =	shalt  }
0x42: {  	_ =	shalt  }
0x43: {  	_ =	shalt  }
0x44: {  	_ =	shalt  }
0x45: {  	_ =	shalt  }
0x46: {  	_ =	shalt  }
0x47: {  	_ =	shalt  }
0x48: {  	_ =	shalt  }
0x49: {  	_ =	shalt  }
0x4a: {  	_ =	shalt  }
0x4b: {  	_ =	shalt  }
0x4c: {  	_ =	shalt  }
0x4d: {  	_ =	shalt  }
0x4e: {  	_ =	shalt  }
0x4f: {  	_ =	shalt  }
0x50: {  	_ =	shalt  }
0x51: {  	_ =	shalt  }
0x52: {  	_ =	shalt  }
0x53: {  	_ =	shalt  }
0x54: {  	_ =	shalt  }
0x55: {  	_ =	shalt  }
0x56: {  	_ =	shalt  }
0x57: {  	_ =	shalt  }
0x58: {  	_ =	shalt  }
0x59: {  	_ =	shalt  }
0x5a: {  	_ =	shalt  }
0x5b: {  	_ =	shalt  }
0x5c: {  	_ =	shalt  }
0x5d: {  	_ =	shalt  }
0x5e: {  	_ =	shalt  }
0x5f: {  	_ =	shalt  }
0x60: {  	_ =	shalt  }
0x61: {  	_ =	shalt  }
0x62: {  	_ =	shalt  }
0x63: {  	_ =	shalt  }
0x64: {  	_ =	shalt  }
0x65: {  	_ =	shalt  }
0x66: {  	_ =	shalt  }
0x67: {  	_ =	shalt  }
0x68: {  	_ =	shalt  }
0x69: {  	_ =	shalt  }
0x6a: {  	_ =	shalt  }
0x6b: {  	_ =	shalt  }
0x6c: {  	_ =	shalt  }
0x6d: {  	_ =	shalt  }
0x6e: {  	_ =	shalt  }
0x6f: {  	_ =	shalt  }
0x70: {  	_ =	shalt  }
0x71: {  	_ =	shalt  }
0x72: {  	_ =	shalt  }
0x73: {  	_ =	shalt  }
0x74: {  	_ =	shalt  }
0x75: {  	_ =	shalt  }
0x76: {  	_ =	shalt  }
0x77: {  	_ =	shalt  }
0x78: {  	_ =	shalt  }
0x79: {  	_ =	shalt  }
0x7a: {  	_ =	shalt  }
0x7b: {  	_ =	shalt  }
0x7c: {  	_ =	shalt  }
0x7d: {  	_ =	shalt  }
0x7e: {  	_ =	shalt  }
0x7f: {  	_ =	shalt  }
0x80: {  	_ =	shalt  }
0x81: {  	_ =	shalt  }
0x82: {  	_ =	shalt  }
0x83: {  	_ =	shalt  }
0x84: {  	_ =	shalt  }
0x85: {  	_ =	shalt  }
0x86: {  	_ =	shalt  }
0x87: {  	_ =	shalt  }
.Lfunc_end0:
.L_simem_size_0:
called_computation_lowered:
.L_overlay_start_0:
0x88: {  	s2 =	sld [smem:$0x3FD9]  }
0x89: {  	s3 =	sld [smem:$0x3FFE];
	_ =	sdelay $0x1  }
0x8a: {  	s1 =	srdreg.scid  }
0x8b: {  	s0 =	sand.u32 $0x1, s1  }
0x8c: {  	s16 =	sshll.u32 s0, $0xA;
	s2 =	sadd.s32 s3, s2  }
0x8d: {  	s2 =	sadd.s32 s2, s16  }
0x8e: {  	[smem:$0x3FC6] =	sst s2  }
0x8f: {  	_ = 	snop  }
0x90: {  	(tm) =	ssettm $0x1  }
0x91: {  	s17 =	sld [smem:$0x3FFB];
	_ =	sdelay $0x3  }
0x92: {  	_ =	strace s17  }
0x93: {  	s2 =	sld [smem:$0x3FFC];
	_ =	sdelay $0x3  }
0x94: {  	_ =	strace s2  }
0x95: {  	s2 =	sld [smem:$0x3FFD];
	_ =	sdelay $0x3  }
0x96: {  	_ =	strace s2  }
0x97: {  	_ =	strace $0x8FFFFFFF  }
0x98: {  	s18 =	sld [smem:$0x3FDB];
	_ =	sdelay $0x1  }
0x99: {  	s19 =	simm.s32 $_scs_section_size  }
0x9a: {  	s4 =	simm.s32 $_size__tile_overlayer_lowered;
	s5 =	simm.s32 $_tile_overlayer_lowered  }
0x9b: {  	s22 =	simm.s32 $0x1BFF;
	s21 =	sshll.u32 s5, $0x1;
	s2 =	sadd.s32 s19, s18  }
0x9c: {  	s6 =	simm.s32 $0x0;
	s20 =	sshll.u32 s4, $0x1;
	s4 =	sadd.s32 s21, s2  }
0x9d: {  	[timem:s6], [sflag:s22] =	dma.local [hbm:s4], s20  }
0x9e: {  	_ =	swait.ge [sflag:s22], s20  }
0x9f: {  	s3 =	ssub.s32 $0x0, s20;
	[sflag:s22] =	ssyncset.done $0x0  }
0xa0: {  	[sflag:s22] =	ssyncadd.s32 s3;
	_ =	sdelay $0x1  }
0xa1: {  	s23 =	simm.s32 $0x1B8B  }
0xa2: {  	_ =	swait.ge [sflag:s23], $0x1  }
0xa3: {  	[sflag:s23] =	ssyncset.done $0x0  }
0xa4: {  	s25 =	simm.s32 $0x1B8E;
	s24 =	sld [smem:$0x3FFE];
	[sflag:s23] =	ssyncadd.s32 $0xFFFFFFFF  }
0xa5: {  	s26 =	simm.s32 $execute0_lowered;
	[smem:$0x3FD2] =	sst s25  }
0xa6: {  	s4 =	sshll.u32 s26, $0x1;
	_ =	strace $0x80000046;
	[dreg:$0x1] =	wrdreg $0xFFFFFFFF  }
0xa7: {  	s28 =	simm.s32 $_size_execute0_lowered;
	s2 =	sadd.s32 s2, s4;
	[dreg:$0x0] =	wrdreg $0x0  }
0xa8: {  	s4 =	sshll.u32 s28, $0x1;
	[dreg:$0x2] =	wrdreg s2  }
0xa9: {  	[dreg:$0x3] =	wrdreg s4  }
0xaa: {  	[dreg:$0x4] =	wrdreg $0xC0  }
0xab: {  	_ =	task [dreg:s6], $0x5FFFF  }
0xac: {  	[dreg:$0x1] =	wrdreg $0xFFFFFFFF  }
0xad: {  	[dreg:$0x0] =	wrdreg $0x60  }
0xae: {  	[dreg:$0x2] =	wrdreg s24  }
0xaf: {  	[dreg:$0x3] =	wrdreg $0x9  }
0xb0: {  	_ =	task.clear_ibuf [dreg:s6], $0x4FFFF;
	_ =	strace $0x90000046  }
0xb1: {  	s29 =	simm.s32 $0x9;
	_ =	strace $0x80000048  }
0xb2: {  	_ =	swait.ge [sflag:s29], $0x1  }
0xb3: {  	[sflag:s29] =	ssyncadd.s32 $0xFFFFFFFF  }
0xb4: {  	_ =	strace $0x90000048  }
0xb5: {  	_ =	sfence  }
0xb6: {  	s30 =	sld [smem:$0x0];
	_ =	sdelay $0x2  }
0xb7: {  	s31 =	sshll.u32 s1, $0xD;
	s1 =	sshrl.u32 s1, $0x2  }
0xb8: {  	s3 =	sand.u32 $0x4000, s31;
	s1 =	sadd.s32 s1, s30  }
0xb9: {  	s0 =	sor.u32 s3, s0;
	s1 =	sshll.u32 s1, $0x11  }
0xba: {  	s0 =	sor.u32 s1, s0  }
0xbb: {  	s0 =	sadd.s32 $0x8F2B, s0  }
0xbc: {  	[sflag:s0] =	ssyncadd.remote.s32 $0x1  }
0xbd: {  	_ =	sfence.sel $0xFFFF  }
0xbe: {  	[dreg:$0x0] =	wrdreg $0xFFFFFFFF;
	(pc) =	sbr.abs _section_cstart, $3  }
0xbf: {  	[dreg:$0x1] =	wrdreg $0xFFFFFFFF  }
0xc0: {  	_ =	task.clear_ibuf [dreg:s6], $0x2FFFF;
	_ =	strace $0x9FFFFFFF  }
0xc1: {  	(tm) =	ssettm $0x7FFFFFFF  }
tec
execute0_lowered:
.L_overlay_start_1:
0x0: {  	(tag) =	ssettag $0x1  }
0x1: {  	s0 =	srdreg.scid  }
0x2: {  	s0 =	sand.u32 $0x1, s0  }
0x3: {  	s1 =	stileid.u32;
	p0 =	seq.s32 s0, $0x1  }
0x4: {  	p1 =	sgt.u32 @!p0 s1, $0x7  }
0x5: {  	p0 =	por p0, p1  }
.Ltmp0:
0x6: {  	_ = 	snop;
	(pc) =	sbr.rel @p0 .LBB2_23-.Ltmp0, $4  }
0x7: {  	_ = 	snop  }
0x8: {  	s2 =	rddreg [dreg:$0x0];
	s3 =	simm.s32 $0x0  }
0x9: {  	[smem:$0x7FF] =	sst s3  }
0xa: {  	s0 =	rddreg [dreg:$0x1];
	_ =	strace $0x80000047  }
0xb: {  	s4 =	smul.u32 $0x3800, s1  }
0xc: {  	s5 =	sadd.s32 $0x1600, s2  }
0xd: {  	s26 =	simm.s32 $0x1;
	s4 =	sadd.s32 s5, s4  }
0xe: {  	[tilespmem:s3], [sflag:$0x1] =	stream.linear.gather [hbm4b:s4+s3], $0x1C000, $0x38;
	[tilespmem:$0x1C600] =	vst v63  }
0xf: {  	_ =	swait.ge [sflag:s26], $0x1C000  }
0x10: {  	s28 =	sadd.s32 $0x1D800, s2;
	s6 =	sshll.u32 s1, $0x4;
	[sflag:s26] =	ssyncset.done $0x0  }
0x11: {  	s7 =	simm.s32 $0x1C000;
	s5 =	sadd.s32 s28, s6;
	[sflag:s26] =	ssyncadd.s32 $0xFFFE4000  }
0x12: {  	[tilespmem:s7], [sflag:$0x1] =	stream.linear.gather [hbm4b:s5+s3], $0x80, $0x38;
	[tilespmem:$0x1C600] =	vst v63  }
0x13: {  	_ =	swait.ge [sflag:s26], $0x80  }
0x14: {  	s29 =	sadd.s32 $0x1D600, s2;
	[sflag:s26] =	ssyncset.done $0x0  }
0x15: {  	s30 =	simm.s32 $0x1C080;
	s5 =	sadd.s32 s29, s6;
	[sflag:s26] =	ssyncadd.s32 $0xFFFFFF80  }
0x16: {  	[tilespmem:s30], [sflag:$0x1] =	stream.linear.gather [hbm4b:s5+s3], $0x80, $0x38;
	[tilespmem:$0x1C600] =	vst v63  }
0x17: {  	_ =	swait.ge [sflag:s26], $0x80  }
0x18: {  	[sflag:s26] =	ssyncset.done $0x0  }
0x19: {  	v0 =	vimm.s32 $0x10000000;
	[sflag:s26] =	ssyncadd.s32 $0xFFFFFF80  }
0x1a: {  	v11 =	vimm.s32 $0x0;
	[tilespmem:$0x1C100] =	vst v0  }
0x1b: {  	[tilespmem:$0x1C180] =	vst v11  }
0x1c: {  	[tilespmem:$0x1C110] =	vst v0  }
0x1d: {  	[tilespmem:$0x1C190] =	vst v11  }
0x1e: {  	[tilespmem:$0x1C120] =	vst v0  }
0x1f: {  	[tilespmem:$0x1C1A0] =	vst v11  }
0x20: {  	[tilespmem:$0x1C130] =	vst v0  }
0x21: {  	[tilespmem:$0x1C1B0] =	vst v11  }
0x22: {  	[tilespmem:$0x1C140] =	vst v0  }
0x23: {  	[tilespmem:$0x1C1C0] =	vst v11  }
0x24: {  	[tilespmem:$0x1C150] =	vst v0  }
0x25: {  	[tilespmem:$0x1C1D0] =	vst v11  }
0x26: {  	[tilespmem:$0x1C160] =	vst v0  }
0x27: {  	s31 =	sadd.s32 s6, s2;
	[tilespmem:$0x1C1E0] =	vst v11  }
0x28: {  	s2 =	sadd.s32 $0x1DC00, s31;
	[tilespmem:$0x1C170] =	vst v0  }
0x29: {  	s4 =	simm.s32 $0x40;
	s3 =	sadd.s32 $0x1DA00, s31;
	s5 =	simm.s32 $0x0;
	[tilespmem:$0x1C1F0] =	vst v11  }
.LBB2_2:
0x2a: {  	p0 =	sne.s32 s4, $0xF80;
	[tilespmem:s5+$0x1C200] =	vst v11;
	s5 =	smov.u32 s4;
	s4 =	sadd.s32 $0x40, s4  }
.Ltmp1:
0x2b: {  	(pc) =	sbr.rel @p0 .LBB2_2-.Ltmp1, $2  }
0x2c: {  	_ =	sdelay $0x2  }
0x2d: {  	s5 =	sshra.s32 s5, $0x2  }
0x2e: {  	v0 =	vimm.s32 $0xEFCDAB89;
	v1 =	vimm.s32 $0x67452301  }
0x2f: {  	v2 =	vimm.s32 $0xDCFE98BA;
	v3 =	vimm.s32 $0x54761032;
	v4 =	vimm.s32 $0xBA98FEDC  }
0x30: {  	v5 =	vimm.s32 $0x32107654;
	v6 =	vimm.s32 $0xFEDCBA98;
	v7 =	vimm.s32 $0x76543210  }
0x31: {  	v0 =	vunpack.c.l.s4.s8 v0;
	v1 =	vunpack.c.l.s4.s8 v1;
	v2 =	vunpack.c.l.s4.s8 v2  }
0x32: {  	v3 =	vunpack.c.l.s4.s8 v3;
	v4 =	vunpack.c.l.s4.s8 v4;
	v5 =	vunpack.c.l.s4.s8 v5  }
0x33: {  	v6 =	vunpack.c.l.s4.s8 v6;
	v7 =	vunpack.c.l.s4.s8 v7;
	v0 =	vunpack.c.0.s8.s32 v0  }
0x34: {  	v1 =	vunpack.c.0.s8.s32 v1;
	v2 =	vunpack.c.0.s8.s32 v2;
	v3 =	vunpack.c.0.s8.s32 v3  }
0x35: {  	v4 =	vunpack.c.0.s8.s32 v4;
	v5 =	vunpack.c.0.s8.s32 v5;
	v6 =	vunpack.c.0.s8.s32 v6  }
0x36: {  	v7 =	vunpack.c.0.s8.s32 v7;
	v0 =	vcombine.low v1, v0  }
.Ltmp2:
0x37: {  	v1 =	vcombine.low v3, v2;
	v2 =	vcombine.low v5, v4;
	v6 =	vand.u32 $0xF, v6;
	(pc) =	sbr.rel .LBB2_4-.Ltmp2, $4  }
0x38: {  	v6 =	vcombine.low v6, v7;
	v7 =	vlaneseq.u32  }
0x39: {  	v3 =	vand.u32 $0xF, v0;
	v4 =	vand.u32 $0xF, v1;
	v5 =	vand.u32 $0xF, v2  }
0x3a: {  	s4 =	simm.s32 $0x0;
	v8 =	vor.u32 $0x10, v7;
	v9 =	vor.u32 $0x20, v7;
	v10 =	vor.u32 $0x30, v7  }
0x3b: {  	[tilespmem:s5+$0x1C200] =	vst v11;
	s5 =	simm.s32 $0x0;
	[smem:$0x0] =	sst s4;
	v11 =	vor.u32 $0x40, v7;
	v12 =	vor.u32 $0x50, v7;
	v13 =	vor.u32 $0x60, v7  }
.LBB2_24:
0x3c: {  	s9 =	sand.u32 $0xFFFFFFF0, s4  }
0x3d: {  	v14 =	vld [tilespmem:s9+$0x1C100]  }
0x3e: {  	v15 =	vld [tilespmem:s9+$0x1C180]  }
0x3f: {  	s10 =	sand.u32 $0xF, s4  }
0x40: {  	v16 =	vmov s10  }
0x41: {  	vm1 =	veq.s32 v16, v7  }
0x42: {  	s29 =	sand.u32 $0x7F, s6;
	v14 =	vsel vm1, s8, v14  }
0x43: {  	[tilespmem:s9+$0x1C100] =	vst v14;
	v14 =	vsel vm1, s29, v15  }
0x44: {  	[tilespmem:s9+$0x1C180] =	vst v14  }
0x45: {  	v14 =	vld [tilespmem:s7+$0x1C200];
	_ =	sdelay $0x4  }
0x46: {  	v14 =	vsel vm0, $0x1, v14  }
0x47: {  	s30 =	sand.u32 $0x70, s6;
	[tilespmem:s7+$0x1C200] =	vst v14  }
0x48: {  	v14 =	vld [tilespmem:s30+$0x1C000];
	_ =	sdelay $0x1  }
0x49: {  	s31 =	sand.u32 $0xF, s6  }
0x4a: {  	v15 =	vmov s31  }
0x4b: {  	vm15 =	veq.s32 v15, v7  }
0x4c: {  	s4 =	sadd.s32 $0x1, s4;
	v14 =	vsel vm15, $0xFF800000, v14  }
0x4d: {  	[smem:$0x0] =	sst s4;
	[tilespmem:s30+$0x1C000] =	vst v14  }
.LBB2_11:
0x4e: {  	s5 =	sadd.s32 $0x1, s5  }
0x4f: {  	p0 =	sne.s32 s5, $0x120  }
.Ltmp3:
0x50: {  	_ = 	snop;
	(pc) =	sbr.rel @!p0 .LBB2_12-.Ltmp3, $1  }
0x51: {  	_ =	sdelay $0x3  }
.LBB2_4:
0x52: {  	p0 =	sgt.s32 s4, $0x63  }
.Ltmp4:
0x53: {  	_ = 	snop;
	(pc) =	sbr.rel @p0 .LBB2_11-.Ltmp4, $1  }
0x54: {  	_ =	sdelay $0x3  }
0x55: {  	v14 =	vld [tilespmem:$0x1C000]  }
0x56: {  	v15 =	vld [tilespmem:$0x1C010]  }
0x57: {  	v16 =	vld [tilespmem:$0x1C020]  }
0x58: {  	v17 =	vld [tilespmem:$0x1C030]  }
0x59: {  	v18 =	vld [tilespmem:$0x1C040]  }
0x5a: {  	v19 =	vld [tilespmem:$0x1C050]  }
0x5b: {  	v21 =	vld [tilespmem:$0x1C060];
	v20 =	vmax.f32 v14, v15  }
0x5c: {  	v20 =	vmax.f32 v20, v16  }
0x5d: {  	v20 =	vmax.f32 v20, v17  }
0x5e: {  	v20 =	vmax.f32 v20, v18  }
0x5f: {  	v20 =	vmax.f32 v20, v19  }
0x60: {  	v20 =	vmax.f32 v20, v21  }
0x61: {  	v22 =	vperm.xlane v20, v3;
	_ =	sdelay $0x1  }
0x62: {  	v20 =	vmax.f32 v20, v22  }
0x63: {  	v22 =	vperm.xlane v20, v4  }
0x64: {  	v23 =	vld [tilespmem:$0x1C080]  }
0x65: {  	v20 =	vmax.f32 v20, v22  }
0x66: {  	v22 =	vperm.xlane v20, v5  }
0x67: {  	v24 =	vld [tilespmem:$0x1C090]  }
0x68: {  	v20 =	vmax.f32 v20, v22  }
0x69: {  	v25 =	vld [tilespmem:$0x1C0A0];
	v23 =	vshll.u32 v23, $0x7;
	v22 =	vperm.xlane v20, v6  }
0x6a: {  	v23 =	vor.u32 v7, v23  }
0x6b: {  	v56 =	vld [tilespmem:$0x1C0B0];
	vm0 =	vlt.s32 v23, $0x10000000;
	v20 =	vmax.f32 v20, v22  }
0x6c: {  	v57 =	vshll.u32 v24, $0x7;
	vm1 =	veq.f32 v14, v20;
	v14 =	vnsel vm0, $0x10000000, v23  }
0x6d: {  	v58 =	vld [tilespmem:$0x1C0C0];
	v23 =	vor.u32 v8, v57;
	v14 =	vnsel vm1, $0x10000000, v14  }
0x6e: {  	vm0 =	veq.f32 v15, v20;
	v15 =	vshll.u32 v25, $0x7;
	vm1 =	vlt.s32 v14, v23  }
0x6f: {  	v59 =	vld [tilespmem:$0x1C0D0];
	v15 =	vor.u32 v9, v15;
	v23 =	vsel vm1, v14, v23;
	vm1 =	veq.f32 v16, v20  }
0x70: {  	v22 =	vshll.u32 v56, $0x7;
	v14 =	vsel vm0, v23, v14;
	v15 =	vnsel vm1, $0x10000000, v15  }
0x71: {  	v61 =	vld [tilespmem:$0x1C0E0];
	v60 =	vor.u32 v10, v22;
	vm1 =	veq.f32 v17, v20;
	vm0 =	vlt.s32 v14, v15  }
0x72: {  	v62 =	vshll.u32 v58, $0x7;
	v14 =	vsel vm0, v14, v15;
	v15 =	vnsel vm1, $0x10000000, v60  }
0x73: {  	v17 =	vor.u32 v11, v62;
	vm1 =	veq.f32 v18, v20;
	vm0 =	vlt.s32 v14, v15  }
0x74: {  	v16 =	vshll.u32 v59, $0x7;
	v14 =	vsel vm0, v14, v15;
	v15 =	vnsel vm1, $0x10000000, v17  }
0x75: {  	v16 =	vor.u32 v12, v16;
	vm1 =	veq.f32 v19, v20;
	vm0 =	vlt.s32 v14, v15  }
0x76: {  	v63 =	vshll.u32 v61, $0x7;
	v14 =	vsel vm0, v14, v15;
	v15 =	vnsel vm1, $0x10000000, v16  }
0x77: {  	vm1 =	veq.f32 v21, v20;
	v16 =	vor.u32 v13, v63;
	vm0 =	vlt.s32 v14, v15  }
0x78: {  	v14 =	vsel vm0, v14, v15;
	v15 =	vnsel vm1, $0x10000000, v16  }
0x79: {  	vm0 =	vlt.s32 v14, v15  }
0x7a: {  	v14 =	vsel vm0, v14, v15  }
0x7b: {  	v15 =	vperm.xlane v14, v3;
	_ =	sdelay $0x1  }
0x7c: {  	vm0 =	vlt.s32 v14, v15  }
0x7d: {  	v14 =	vsel vm0, v14, v15  }
0x7e: {  	v15 =	vperm.xlane v14, v4;
	_ =	sdelay $0x1  }
0x7f: {  	vm0 =	vlt.s32 v14, v15  }
0x80: {  	v14 =	vsel vm0, v14, v15  }
0x81: {  	v15 =	vperm.xlane v14, v5;
	_ =	sdelay $0x1  }
0x82: {  	vm0 =	vlt.s32 v14, v15  }
0x83: {  	v14 =	vsel vm0, v14, v15  }
0x84: {  	v15 =	vperm.xlane v14, v6;
	_ =	sdelay $0x1  }
0x85: {  	vm0 =	vlt.s32 v14, v15  }
0x86: {  	v14 =	vsel vm0, v14, v15  }
0x87: {  	(v2sf) =	vpush v14, $0x0;
	_ =	sdelay $0xe  }
0x88: {  	s6 =	spop (v2sf)  }
0x89: {  	s8 =	sshrl.u32 s6, $0x7  }
0x8a: {  	s7 =	sand.u32 $0x1FFFFF0, s8  }
0x8b: {  	v14 =	vld [tilespmem:s7+$0x1C200];
	_ =	sdelay $0x1  }
0x8c: {  	s9 =	sand.u32 $0xF, s8  }
0x8d: {  	v15 =	vmov s9  }
0x8e: {  	vm0 =	veq.s32 v15, v7  }
0x8f: {  	v14 =	vnsel vm0, $0xC0000000, v14  }
0x90: {  	v15 =	vperm.xlane v14, v3;
	_ =	sdelay $0x1  }
0x91: {  	vm1 =	vgt.s32 v14, v15  }
0x92: {  	v14 =	vsel vm1, v14, v15  }
0x93: {  	v15 =	vperm.xlane v14, v4;
	_ =	sdelay $0x1  }
0x94: {  	vm1 =	vgt.s32 v14, v15  }
0x95: {  	v14 =	vsel vm1, v14, v15  }
0x96: {  	v15 =	vperm.xlane v14, v5;
	_ =	sdelay $0x1  }
0x97: {  	vm1 =	vgt.s32 v14, v15  }
0x98: {  	v14 =	vsel vm1, v14, v15  }
0x99: {  	v15 =	vperm.xlane v14, v6;
	_ =	sdelay $0x1  }
0x9a: {  	vm1 =	vgt.s32 v14, v15  }
0x9b: {  	v14 =	vsel vm1, v14, v15  }
0x9c: {  	(v2sf) =	vpush v14, $0x0;
	_ =	sdelay $0xe  }
0x9d: {  	s31 =	spop (v2sf)  }
0x9e: {  	p0 =	seq.s32 s31, $0x0  }
.Ltmp5:
0x9f: {  	_ = 	snop;
	(pc) =	sbr.rel @p0 .LBB2_24-.Ltmp5, $1  }
0xa0: {  	_ =	sdelay $0x3  }
0xa1: {  	s7 =	sand.u32 $0x78, s6  }
0xa2: {  	s11 =	sadd.s32 $0x0, s7  }
0xa3: {  	s8 =	sshll.u32 s6, $0x7;
	s11 =	sshll.u32 s11, $0xA  }
0xa4: {  	s10 =	simm.s32 $0x0;
	s8 =	sand.u32 $0x380, s8;
	s11 =	sand.u32 $0x3FFFFC00, s11  }
0xa5: {  	s9 =	simm.s32 $0x1C200;
	s10 =	sand.u32 $0x70, s10;
	s11 =	sor.u32 s11, s8  }
0xa6: {  	v16 =	vld [tilespmem:s9+$0x0];
	s10 =	sadd.s32 s10, s11  }
0xa7: {  	v17 =	vld [tilespmem:s10+$0x0]  }
0xa8: {  	s30 =	sadd.s32 $0x0, s7  }
0xa9: {  	s9 =	sshll.u32 s30, $0xA  }
0xaa: {  	s31 =	sand.u32 $0x3FFFFC00, s9;
	s9 =	simm.s32 $0x10  }
0xab: {  	v14 =	vimm.f32 $-Inf;
	s12 =	sand.u32 $0x70, s9;
	s13 =	sor.u32 s31, s8;
	s10 =	simm.s32 $0x1C210  }
0xac: {  	s11 =	simm.s32 $0x2;
	s12 =	sadd.s32 s12, s13;
	vm0 =	veq.s32 v16, $0x0;
	v15 =	vld [tilespmem:s10+$0x0];
	v16 =	vmax.f32 v14, v17  }
.LBB2_7:
0xad: {  	s13 =	sshrl.u32 s11, $0x3;
	p0 =	sne.s32 s11, $0x3E;
	s11 =	sadd.s32 $0x1, s11;
	v17 =	vld [tilespmem:s12+$0x0];
	v14 =	vsel vm0, v16, v14  }
.Ltmp6:
0xae: {  	s12 =	sadd.s32 s7, s13;
	(pc) =	sbr.rel @p0 .LBB2_7-.Ltmp6, $4  }
0xaf: {  	s12 =	sshll.u32 s12, $0xA  }
0xb0: {  	s9 =	sadd.s32 $0x10, s9;
	s12 =	sand.u32 $0x3FFFFC00, s12  }
0xb1: {  	s10 =	sadd.s32 $0x10, s10;
	s13 =	sand.u32 $0x70, s9;
	s12 =	sor.u32 s12, s8  }
0xb2: {  	vm0 =	veq.s32 v15, $0x0;
	s12 =	sadd.s32 s13, s12;
	v15 =	vld [tilespmem:s10+$0x0];
	v16 =	vmax.f32 v14, v17  }
0xb3: {  	v17 =	vld [tilespmem:s12+$0x0];
	_ =	sdelay $0x3  }
0xb4: {  	v14 =	vsel vm0, v16, v14  }
0xb5: {  	vm0 =	veq.s32 v15, $0x0;
	v15 =	vmax.f32 v14, v17  }
0xb6: {  	v14 =	vsel vm0, v15, v14  }
0xb7: {  	v15 =	vperm.xlane v14, v0;
	_ =	sdelay $0x1  }
0xb8: {  	s9 =	sadd.s32 $0x0, s7;
	v14 =	vmax.f32 v14, v15  }
0xb9: {  	s10 =	sshll.u32 s9, $0xA;
	v15 =	vperm.xlane v14, v1  }
0xba: {  	s9 =	simm.s32 $0x0;
	s10 =	sand.u32 $0x3FFFFC00, s10  }
0xbb: {  	s11 =	simm.s32 $0x1C200;
	s29 =	sand.u32 $0x70, s9;
	s10 =	sor.u32 s10, s8;
	v14 =	vmax.f32 v14, v15  }
0xbc: {  	s10 =	sadd.s32 s29, s10;
	v17 =	vld [tilespmem:s11+$0x0];
	v15 =	vperm.xlane v14, v2  }
0xbd: {  	v18 =	vld [tilespmem:s10+$0x0]  }
0xbe: {  	s30 =	sadd.s32 $0x0, s7;
	v14 =	vmax.f32 v14, v15  }
0xbf: {  	s10 =	sshll.u32 s30, $0xA;
	v15 =	vperm.xlane v14, v6  }
0xc0: {  	s31 =	sand.u32 $0x3FFFFC00, s10;
	s10 =	simm.s32 $0x10  }
0xc1: {  	s11 =	simm.s32 $0x1C210;
	s13 =	sand.u32 $0x70, s10;
	s14 =	sor.u32 s31, s8;
	v14 =	vmax.f32 v14, v15  }
0xc2: {  	s12 =	simm.s32 $0x2;
	v16 =	vld [tilespmem:s11+$0x0];
	s13 =	sadd.s32 s13, s14;
	vm0 =	veq.s32 v17, $0x0;
	v15 =	vimm.s32 $0x10000000;
	vm1 =	veq.f32 v18, v14  }
.LBB2_9:
0xc3: {  	s14 =	sshrl.u32 s12, $0x3;
	p0 =	sne.s32 s12, $0x3E;
	s12 =	sadd.s32 $0x1, s12;
	v17 =	vld [tilespmem:s13+$0x0];
	vm0 =	vmand vm1, vm0;
	v18 =	vor.u32 s9, v7  }
.Ltmp7:
0xc4: {  	s9 =	smov.u32 s10;
	s13 =	sadd.s32 s7, s14;
	v18 =	vnsel vm0, $0x10000000, v18;
	(pc) =	sbr.rel @p0 .LBB2_9-.Ltmp7, $4  }
0xc5: {  	s13 =	sshll.u32 s13, $0xA;
	vm0 =	vlt.s32 v15, v18  }
0xc6: {  	s10 =	sadd.s32 $0x10, s10;
	s13 =	sand.u32 $0x3FFFFC00, s13;
	v15 =	vsel vm0, v15, v18  }
0xc7: {  	s11 =	sadd.s32 $0x10, s11;
	s14 =	sand.u32 $0x70, s10;
	s13 =	sor.u32 s13, s8  }
0xc8: {  	vm0 =	veq.s32 v16, $0x0;
	s13 =	sadd.s32 s14, s13;
	v16 =	vld [tilespmem:s11+$0x0];
	vm1 =	veq.f32 v17, v14  }
0xc9: {  	v17 =	vld [tilespmem:s13+$0x0];
	_ =	sdelay $0x3  }
0xca: {  	vm0 =	vmand vm1, vm0;
	v18 =	vor.u32 s9, v7  }
0xcb: {  	v18 =	vnsel vm0, $0x10000000, v18;
	vm12 =	veq.s32 v16, $0x0;
	vm13 =	veq.f32 v17, v14  }
0xcc: {  	v60 =	vor.u32 s10, v7;
	vm14 =	vlt.s32 v15, v18;
	vm0 =	vmand vm13, vm12  }
0xcd: {  	v15 =	vsel vm14, v15, v18;
	v16 =	vnsel vm0, $0x10000000, v60  }
0xce: {  	vm0 =	vlt.s32 v15, v16  }
0xcf: {  	v15 =	vsel vm0, v15, v16  }
0xd0: {  	v16 =	vperm.xlane v15, v0;
	_ =	sdelay $0x1  }
0xd1: {  	vm0 =	vlt.s32 v15, v16  }
0xd2: {  	v15 =	vsel vm0, v15, v16  }
0xd3: {  	v16 =	vperm.xlane v15, v1;
	_ =	sdelay $0x1  }
0xd4: {  	vm0 =	vlt.s32 v15, v16  }
0xd5: {  	v15 =	vsel vm0, v15, v16  }
0xd6: {  	v16 =	vperm.xlane v15, v2;
	_ =	sdelay $0x1  }
0xd7: {  	vm0 =	vlt.s32 v15, v16  }
0xd8: {  	s7 =	sand.u32 $0x70, s6;
	v15 =	vsel vm0, v15, v16  }
0xd9: {  	v61 =	vld [tilespmem:s7+$0x1C000];
	v16 =	vperm.xlane v15, v6  }
0xda: {  	v62 =	vld [tilespmem:s7+$0x1C080]  }
0xdb: {  	s31 =	sand.u32 $0xF, s6;
	vm0 =	vlt.s32 v15, v16  }
.Ltmp8:
0xdc: {  	v63 =	vmov s31;
	v14 =	vbroadcast v14, $0x0;
	v15 =	vsel vm0, v15, v16;
	(pc) =	sbr.rel .LBB2_11-.Ltmp8, $4  }
0xdd: {  	vm15 =	veq.s32 v63, v7;
	v15 =	vbroadcast v15, $0x0  }
0xde: {  	v14 =	vsel vm15, v14, v61  }
0xdf: {  	[tilespmem:s7+$0x1C000] =	vst v14;
	v14 =	vsel vm15, v15, v62  }
0xe0: {  	[tilespmem:s7+$0x1C080] =	vst v14  }
.LBB2_12:
0xe1: {  	v0 =	vimm.s32 $0xEFCDAB89;
	v1 =	vimm.s32 $0x67452301  }
0xe2: {  	v2 =	vimm.s32 $0xDCFE98BA;
	v3 =	vimm.s32 $0x54761032;
	v4 =	vimm.s32 $0xBA98FEDC  }
0xe3: {  	v5 =	vimm.s32 $0x32107654;
	v6 =	vimm.s32 $0xFEDCBA98;
	v7 =	vimm.s32 $0x76543210  }
0xe4: {  	v0 =	vunpack.c.l.s4.s8 v0;
	v1 =	vunpack.c.l.s4.s8 v1;
	v2 =	vunpack.c.l.s4.s8 v2  }
0xe5: {  	v3 =	vunpack.c.l.s4.s8 v3;
	v4 =	vunpack.c.l.s4.s8 v4;
	v5 =	vunpack.c.l.s4.s8 v5  }
0xe6: {  	v6 =	vunpack.c.l.s4.s8 v6;
	v7 =	vunpack.c.l.s4.s8 v7;
	v0 =	vunpack.c.0.s8.s32 v0  }
0xe7: {  	v1 =	vunpack.c.0.s8.s32 v1;
	v2 =	vunpack.c.0.s8.s32 v2;
	v3 =	vunpack.c.0.s8.s32 v3  }
.Ltmp9:
0xe8: {  	v4 =	vunpack.c.0.s8.s32 v4;
	v5 =	vunpack.c.0.s8.s32 v5;
	v6 =	vunpack.c.0.s8.s32 v6;
	(pc) =	sbr.rel .LBB2_13-.Ltmp9, $4  }
0xe9: {  	v7 =	vunpack.c.0.s8.s32 v7;
	v0 =	vcombine.low v1, v0  }
0xea: {  	v1 =	vcombine.low v3, v2;
	v2 =	vcombine.low v5, v4;
	v3 =	vand.u32 $0xF, v6  }
0xeb: {  	v4 =	vlaneseq.u32;
	v3 =	vcombine.low v3, v7  }
0xec: {  	s5 =	simm.s32 $0x0;
	v5 =	vand.u32 $0xF, v0;
	v6 =	vand.u32 $0xF, v1;
	v7 =	vand.u32 $0xF, v2  }
.LBB2_21:
0xed: {  	s5 =	sadd.s32 $0x1, s5  }
0xee: {  	p0 =	sne.s32 s5, $0x64  }
.Ltmp10:
0xef: {  	_ = 	snop;
	(pc) =	sbr.rel @!p0 .LBB2_22-.Ltmp10, $1  }
0xf0: {  	_ =	sdelay $0x3  }
.LBB2_13:
0xf1: {  	p0 =	sgt.s32 s4, $0x63  }
.Ltmp11:
0xf2: {  	_ = 	snop;
	(pc) =	sbr.rel @p0 .LBB2_21-.Ltmp11, $1  }
0xf3: {  	_ =	sdelay $0x3  }
0xf4: {  	s7 =	simm.s32 $0x0  }
0xf5: {  	s8 =	simm.f32 $-Inf;
	s6 =	simm.s32 $0x10000000;
	s9 =	simm.s32 $0x0  }
.LBB2_15:
0xf6: {  	s10 =	sand.u32 $0x78, s9  }
0xf7: {  	s11 =	sadd.s32 $0x0, s10  }
0xf8: {  	s12 =	sshll.u32 s9, $0x7;
	s13 =	sshll.u32 s11, $0xA  }
0xf9: {  	s11 =	sand.u32 $0x380, s12;
	s28 =	sand.u32 $0x3FFFFC00, s13  }
0xfa: {  	s29 =	simm.s32 $0x1C200;
	s14 =	sand.u32 $0x70, s7;
	s12 =	sor.u32 s28, s11  }
0xfb: {  	v10 =	vld [tilespmem:s29+$0x0];
	s12 =	sadd.s32 s14, s12  }
0xfc: {  	v11 =	vld [tilespmem:s12+$0x0]  }
0xfd: {  	s30 =	sadd.s32 $0x0, s10  }
0xfe: {  	s12 =	sshll.u32 s30, $0xA  }
0xff: {  	s31 =	sand.u32 $0x3FFFFC00, s12;
	s12 =	simm.s32 $0x10  }
0x100: {  	v8 =	vimm.f32 $-Inf;
	s13 =	simm.s32 $0x1C210;
	s15 =	sand.u32 $0x70, s12;
	s16 =	sor.u32 s31, s11  }
0x101: {  	v9 =	vld [tilespmem:s13+$0x0];
	s14 =	simm.s32 $0x2;
	vm0 =	veq.s32 v10, $0x0;
	s15 =	sadd.s32 s15, s16;
	v10 =	vmax.f32 v8, v11  }
.LBB2_16:
0x102: {  	s16 =	sshrl.u32 s14, $0x3;
	p0 =	sne.s32 s14, $0x3E;
	s14 =	sadd.s32 $0x1, s14;
	v11 =	vld [tilespmem:s15+$0x0];
	v8 =	vsel vm0, v10, v8  }
.Ltmp12:
0x103: {  	s15 =	sadd.s32 s10, s16;
	(pc) =	sbr.rel @p0 .LBB2_16-.Ltmp12, $4  }
0x104: {  	s15 =	sshll.u32 s15, $0xA  }
0x105: {  	s12 =	sadd.s32 $0x10, s12;
	s15 =	sand.u32 $0x3FFFFC00, s15  }
0x106: {  	s13 =	sadd.s32 $0x10, s13;
	s16 =	sand.u32 $0x70, s12;
	s15 =	sor.u32 s15, s11  }
0x107: {  	vm0 =	veq.s32 v9, $0x0;
	s15 =	sadd.s32 s16, s15;
	v9 =	vld [tilespmem:s13+$0x0];
	v10 =	vmax.f32 v8, v11  }
0x108: {  	v11 =	vld [tilespmem:s15+$0x0];
	_ =	sdelay $0x3  }
0x109: {  	v8 =	vsel vm0, v10, v8  }
0x10a: {  	vm0 =	veq.s32 v9, $0x0;
	v9 =	vmax.f32 v8, v11  }
0x10b: {  	v8 =	vsel vm0, v9, v8  }
0x10c: {  	v9 =	vperm.xlane v8, v0;
	_ =	sdelay $0x1  }
0x10d: {  	s12 =	sadd.s32 $0x0, s10;
	v8 =	vmax.f32 v8, v9  }
0x10e: {  	s13 =	sshll.u32 s12, $0xA;
	v9 =	vperm.xlane v8, v1  }
0x10f: {  	s12 =	simm.s32 $0x0;
	s13 =	sand.u32 $0x3FFFFC00, s13  }
0x110: {  	s14 =	simm.s32 $0x1C200;
	s29 =	sand.u32 $0x70, s12;
	s13 =	sor.u32 s13, s11;
	v8 =	vmax.f32 v8, v9  }
0x111: {  	s13 =	sadd.s32 s29, s13;
	v11 =	vld [tilespmem:s14+$0x0];
	v9 =	vperm.xlane v8, v2  }
0x112: {  	v12 =	vld [tilespmem:s13+$0x0]  }
0x113: {  	s30 =	sadd.s32 $0x0, s10;
	v8 =	vmax.f32 v8, v9  }
0x114: {  	s13 =	sshll.u32 s30, $0xA;
	v9 =	vperm.xlane v8, v3  }
0x115: {  	s31 =	sand.u32 $0x3FFFFC00, s13;
	s13 =	simm.s32 $0x10  }
0x116: {  	s14 =	simm.s32 $0x1C210;
	s16 =	sand.u32 $0x70, s13;
	s17 =	sor.u32 s31, s11;
	v8 =	vmax.f32 v8, v9  }
0x117: {  	s15 =	simm.s32 $0x2;
	v10 =	vld [tilespmem:s14+$0x0];
	s16 =	sadd.s32 s16, s17;
	vm0 =	veq.s32 v11, $0x0;
	v9 =	vimm.s32 $0x10000000;
	vm1 =	veq.f32 v12, v8  }
.LBB2_18:
0x118: {  	s17 =	sshrl.u32 s15, $0x3;
	p0 =	sne.s32 s15, $0x3E;
	s15 =	sadd.s32 $0x1, s15;
	v11 =	vld [tilespmem:s16+$0x0];
	vm0 =	vmand vm1, vm0;
	v12 =	vor.u32 s12, v4  }
.Ltmp13:
0x119: {  	s12 =	smov.u32 s13;
	s16 =	sadd.s32 s10, s17;
	v12 =	vnsel vm0, $0x10000000, v12;
	(pc) =	sbr.rel @p0 .LBB2_18-.Ltmp13, $4  }
0x11a: {  	s16 =	sshll.u32 s16, $0xA;
	vm0 =	vlt.s32 v9, v12  }
0x11b: {  	s13 =	sadd.s32 $0x10, s13;
	s16 =	sand.u32 $0x3FFFFC00, s16;
	v9 =	vsel vm0, v9, v12  }
0x11c: {  	s14 =	sadd.s32 $0x10, s14;
	s17 =	sand.u32 $0x70, s13;
	s16 =	sor.u32 s16, s11  }
0x11d: {  	vm0 =	veq.s32 v10, $0x0;
	s16 =	sadd.s32 s17, s16;
	v10 =	vld [tilespmem:s14+$0x0];
	vm1 =	veq.f32 v11, v8  }
0x11e: {  	v11 =	vld [tilespmem:s16+$0x0];
	_ =	sdelay $0x3  }
0x11f: {  	vm0 =	vmand vm1, vm0;
	v12 =	vor.u32 s12, v4  }
0x120: {  	v12 =	vnsel vm0, $0x10000000, v12;
	vm12 =	veq.s32 v10, $0x0;
	vm13 =	veq.f32 v11, v8  }
0x121: {  	v55 =	vor.u32 s13, v4;
	vm14 =	vlt.s32 v9, v12;
	vm0 =	vmand vm13, vm12  }
0x122: {  	v9 =	vsel vm14, v9, v12;
	v10 =	vnsel vm0, $0x10000000, v55  }
0x123: {  	vm0 =	vlt.s32 v9, v10  }
0x124: {  	v9 =	vsel vm0, v9, v10  }
0x125: {  	v10 =	vperm.xlane v9, v5  }
0x126: {  	s10 =	sand.u32 $0x70, s9  }
0x127: {  	v56 =	vld [tilespmem:s10+$0x1C000];
	vm0 =	vlt.s32 v9, v10  }
0x128: {  	v9 =	vsel vm0, v9, v10  }
0x129: {  	s30 =	sand.u32 $0xF, s9;
	v10 =	vperm.xlane v9, v6  }
0x12a: {  	v57 =	vmov s30  }
0x12b: {  	vm15 =	veq.s32 v57, v4;
	vm0 =	vlt.s32 v9, v10  }
0x12c: {  	v58 =	vnsel vm15, $0xFF800000, v56;
	v9 =	vsel vm0, v9, v10  }
0x12d: {  	v60 =	vperm.xlane v58, v5;
	v59 =	vperm.xlane v9, v7;
	_ =	sdelay $0x1  }
0x12e: {  	v10 =	vmax.f32 v58, v60;
	vm0 =	vlt.s32 v9, v59  }
0x12f: {  	v61 =	vperm.xlane v10, v6;
	v9 =	vsel vm0, v9, v59  }
0x130: {  	v62 =	vperm.xlane v9, v3  }
0x131: {  	v10 =	vmax.f32 v10, v61  }
0x132: {  	v11 =	vperm.xlane v10, v7;
	vm0 =	vlt.s32 v9, v62  }
0x133: {  	(v2sf) =	vpush v8, $0x0;
	v9 =	vsel vm0, v9, v62  }
0x134: {  	v8 =	vmax.f32 v10, v11;
	(v2sf) =	vpush v9, $0x0  }
0x135: {  	v63 =	vperm.xlane v8, v3;
	_ =	sdelay $0x1  }
0x136: {  	v8 =	vmax.f32 v8, v63  }
0x137: {  	(v2sf) =	vpush v8, $0x0;
	_ =	sdelay $0x9  }
0x138: {  	s10 =	spop (v2sf)  }
0x139: {  	s11 =	spop (v2sf)  }
0x13a: {  	s11 =	sshll.u32 s11, $0x7  }
0x13b: {  	p0 =	seq.f32 s10, s8;
	s11 =	sadd.s32 s9, s11  }
0x13c: {  	p2 =	sgt.f32 s10, s8;
	s9 =	sadd.s32 $0x1, s9;
	p1 =	slt.s32 s11, s6  }
0x13d: {  	s31 =	spop (v2sf);
	p0 =	por !p0, !p1;
	p1 =	sne.s32 s9, $0x70  }
.Ltmp14:
0x13e: {  	p6 =	sgt.f32 s31, $-Inf;
	p0 =	por !p0, !p0;
	(pc) =	sbr.rel @p1 .LBB2_15-.Ltmp14, $4  }
0x13f: {  	p0 =	por p2, p0  }
0x140: {  	p0 =	por !p0, !p6  }
0x141: {  	p0 =	por !p0, !p0  }
0x142: {  	s8 =	smov.u32 @p0 s10;
	s6 =	smov.u32 @p0 s11  }
0x143: {  	s7 =	sand.u32 $0xFFFFFFF0, s4  }
0x144: {  	v8 =	vld [tilespmem:s7+$0x1C100]  }
0x145: {  	v9 =	vld [tilespmem:s7+$0x1C180]  }
0x146: {  	s8 =	sand.u32 $0xF, s4  }
0x147: {  	v10 =	vmov s8  }
0x148: {  	s28 =	sshrl.u32 s6, $0x7;
	vm0 =	veq.s32 v10, v4  }
0x149: {  	s9 =	sand.u32 $0x7F, s6;
	v8 =	vsel vm0, s28, v8  }
0x14a: {  	[tilespmem:s7+$0x1C100] =	vst v8;
	v8 =	vsel vm0, s9, v9  }
0x14b: {  	s29 =	sand.u32 $0x1FFFFF0, s28;
	[tilespmem:s7+$0x1C180] =	vst v8  }
0x14c: {  	v8 =	vld [tilespmem:s29+$0x1C200];
	_ =	sdelay $0x1  }
0x14d: {  	s8 =	sand.u32 $0xF, s28  }
0x14e: {  	v62 =	vmov s8  }
0x14f: {  	vm14 =	veq.s32 v62, v4  }
0x150: {  	v8 =	vsel vm14, $0x1, v8  }
0x151: {  	s30 =	sand.u32 $0x70, s6;
	[tilespmem:s29+$0x1C200] =	vst v8  }
0x152: {  	v8 =	vld [tilespmem:s30+$0x1C000];
	_ =	sdelay $0x1  }
.Ltmp15:
0x153: {  	s31 =	sand.u32 $0xF, s6;
	(pc) =	sbr.rel .LBB2_21-.Ltmp15, $4  }
0x154: {  	v63 =	vmov s31  }
0x155: {  	vm15 =	veq.s32 v63, v4  }
0x156: {  	s4 =	sadd.s32 $0x1, s4;
	v8 =	vsel vm15, $0xFF800000, v8  }
0x157: {  	[smem:$0x0] =	sst s4;
	[tilespmem:s30+$0x1C000] =	vst v8  }
.LBB2_22:
0x158: {  	s4 =	simm.s32 $0x0;
	s5 =	simm.s32 $0x1C100;
	s30 =	simm.s32 $0x1  }
0x159: {  	[hbm4b:s3+s4] =	stream.linear.scatter [tilespmem:s5], [sflag:$0x1], $0x80, $0x38;
	[tilespmem:$0x1C600] =	vst v63  }
0x15a: {  	_ =	swait.ge [sflag:s30], $0x80  }
0x15b: {  	[sflag:s30] =	ssyncset.done $0x0  }
0x15c: {  	s31 =	simm.s32 $0x1C180;
	[sflag:s30] =	ssyncadd.s32 $0xFFFFFF80  }
0x15d: {  	[hbm4b:s2+s4] =	stream.linear.scatter [tilespmem:s31], [sflag:$0x1], $0x80, $0x38;
	[tilespmem:$0x1C600] =	vst v63  }
0x15e: {  	_ =	swait.ge [sflag:s30], $0x80  }
0x15f: {  	[sflag:s30] =	ssyncset.done $0x0  }
0x160: {  	[sflag:s30] =	ssyncadd.s32 $0xFFFFFF80  }
.LBB2_23:
0x161: {  	_ =	sfence.sel $0x180000  }
0x162: {  	[bflag:$0x0] =	sbarrier.arrive $0xFFFF  }
0x163: {  	p0 =	sne.s32 s1, $0x0;
	_ =	strace $0x90000047  }
0x164: {  	s0 =	sadd.s32 @!p0 $0x100000, s0;
	[bflag:$0x2] =	sbarrier.arrive $0xFFFF  }
0x165: {  	[sflag:s0] =	ssyncadd.tile.s32 @!p0 $0x1;
	_ =	shalt  }
.Lfunc_end2:
_tile_overlayer_lowered:
.L_overlay_start_2:
0x166: {  	(tag) =	ssettag $0x2  }
0x167: {  	s0 =	rddreg [dreg:$0x0];
	s2 =	stileid.u32  }
0x168: {  	s1 =	rddreg [dreg:$0x1];
	p0 =	sne.s32 s2, $0x0  }
0x169: {  	s3 =	rddreg [dreg:$0x2];
	[bflag:$0x3] =	sbarrier.arrive $0xFFFF;
	s2 =	simm.s32 @!p0 $0x1C01  }
0x16a: {  	[timem:s3], [sflag:s2] =	dma.local @!p0 [hbm:s0], s1  }
0x16b: {  	s0 =	simm.s32 @!p0 $0x1  }
0x16c: {  	_ =	swait.ge @!p0 [sflag:s0], s1  }
0x16d: {  	s1 =	ssub.s32 @!p0 $0x0, s1;
	[sflag:s0] =	ssyncset.done @!p0 $0x0  }
0x16e: {  	[sflag:s0] =	ssyncadd.s32 @!p0 s1  }
0x16f: {  	[bflag:$0x3] =	sbarrier.arrive $0xFFFF  }
0x170: {  	_ =	shalt  }

</sc_bundles>
